<compile_context>
chip_gen: v7x
topology: tpu7x:2x2x1
jax: 0.10.2.dev20260603
libtpu: 0.0.44.dev20260713+nightly
codegen_flags: <defaults>
</compile_context>

<pallas_src>
import dataclasses
import functools

import jax
import jax.numpy as jnp
from jax import lax
from jax.experimental import pallas as pl
from jax.experimental.pallas import tpu as pltpu
from jax.experimental.pallas import tpu_sc as plsc

_N = 4096
_M = 8
_TOPK = 10
_L = 16
_NW = 16
_SLICE = _N // _NW
_KV = _SLICE // _L
_NEG = -1.0
_BIGI = 1 << 30
_NH = 8
_NPAIR = _NH - 1
_TAIL = 3 * _TOPK + _M
_OUT = 3 * _N + _TAIL


def _sc_body(x_hbm, prev_hbm, m_hbm, out_hbm,
             xv, pv, mv, stage, nr, tvr, tir, vb, ib, tail, pr, kr,
             sh_vals, sh_idx, sh_niche, sem, semm, semo):
    cid = lax.axis_index("c")
    sid = lax.axis_index("s")
    lanes = lax.iota(jnp.int32, _L)
    lanes8 = lanes * _M

    @pl.when(cid == 0)
    def _():
        w = sid
        base = w * _SLICE
        cm = pltpu.async_copy(m_hbm.at[pl.ds(base * _M, _SLICE * _M)], mv,
                              semm)
        cx = pltpu.async_copy(x_hbm.at[pl.ds(base, _SLICE)], xv, sem)
        cp_ = pltpu.async_copy(prev_hbm.at[pl.ds(base, _SLICE)], pv, sem)
        cx.wait()
        cp_.wait()

        def scan_step(k, carry):
            tvals, tidx = carry
            off = k * _L
            ck = xv[pl.ds(off, _L)] - pv[pl.ds(off, _L)]
            stage[pl.ds(off, _L)] = ck
            sv, si = plsc.sort_key_val(jnp.abs(ck), lanes + (base + off),
                                       descending=True)
            take = sv > tvals
            nv = jnp.where(take, sv, tvals)
            ni = jnp.where(take, si, tidx)
            nv2, ni2 = plsc.sort_key_val(nv, ni)
            return (nv2, ni2)

        tvals, tidx = lax.fori_loop(
            0, _KV, scan_step,
            (jnp.full((_L,), _NEG, jnp.float32), jnp.zeros((_L,), jnp.int32)))

        co = pltpu.async_copy(stage, out_hbm.at[pl.ds(base, _SLICE)], semo)
        tvr[...] = tvals
        tir[...] = tidx
        cm.wait()

        lanehalf = lanes >> 3

        def niche_step(k, acc):
            for t in range(4):
                q = k * 4 + t
                mvv = mv[pl.ds(q * _L, _L)]
                cb = plsc.load_gather(stage, [lanehalf + 2 * q])
                acc = acc + mvv * cb
            return acc

        acc = lax.fori_loop(0, _SLICE * _M // _L // 4, niche_step,
                            jnp.zeros((_L,), jnp.float32))
        nr[...] = acc
        fold = acc + plsc.load_gather(nr, [(lanes & 7) | 8])
        part = jnp.where(lanes < _M, fold, 0.0)
        nr[...] = part
        co.wait()

        pltpu.sync_copy(nr, sh_niche.at[pl.ds(w * _L, _L)])
        pltpu.sync_copy(tvr, sh_vals.at[pl.ds(w * _L, _L)])
        pltpu.sync_copy(tir, sh_idx.at[pl.ds(w * _L, _L)])
        plsc.subcore_barrier()

        pltpu.sync_copy(sh_niche, vb)

        def nred_step(b, acc):
            return acc + vb[pl.ds(b * _L, _L)]

        niche = lax.fori_loop(0, _NW, nred_step,
                              jnp.zeros((_L,), jnp.float32))
        nr[...] = niche

        njs = [plsc.load_gather(nr, [jnp.full((_L,), j, jnp.int32)])
               for j in range(_M)]

        @pl.loop(0, _KV)
        def _(k):
            off = k * _L
            ck = stage[pl.ds(off, _L)]
            moff = lanes8 + off * _M
            ek = njs[0] * plsc.load_gather(mv, [moff])
            for j in range(1, _M):
                ek = ek + njs[j] * plsc.load_gather(mv, [moff + j])
            stage[pl.ds(off, _L)] = ek
            xv[pl.ds(off, _L)] = ck - ek

        ce = pltpu.async_copy(stage, out_hbm.at[pl.ds(_N + base, _SLICE)],
                              semo)
        cr = pltpu.async_copy(xv, out_hbm.at[pl.ds(2 * _N + base, _SLICE)],
                              semo)

        @pl.when(w == 0)
        def _():
            pltpu.sync_copy(sh_vals, vb)
            pltpu.sync_copy(sh_idx, ib)

            def merge_step(b, carry):
                tv, ti = carry
                sv, si = plsc.sort_key_val(vb[pl.ds(b * _L, _L)],
                                           ib[pl.ds(b * _L, _L)],
                                           descending=True)
                take = sv > tv
                nv = jnp.where(take, sv, tv)
                ni = jnp.where(take, si, ti)
                nv2, ni2 = plsc.sort_key_val(nv, ni)
                return (nv2, ni2)

            tv, ti = lax.fori_loop(
                0, _NW, merge_step,
                (jnp.full((_L,), _NEG, jnp.float32),
                 jnp.zeros((_L,), jnp.int32)))
            tvr[...] = tv
            tir[...] = ti

            keybase = ti * _N
            hi = lanes >= _NH

            @pl.loop(1, _NH)
            def _(s):
                perm = ((lanes + s) & (_NH - 1)) | _NH
                rv = plsc.load_gather(tvr, [perm])
                ri = plsc.load_gather(tir, [perm])
                off = (s - 1) * _L
                pr[pl.ds(off, _L)] = jnp.where(hi, tv * rv, _NEG)
                kr[pl.ds(off, _L)] = keybase + ri

            def top_step(t, carry):
                selv, selk, maxv = carry

                def max_step(s, mx):
                    return jnp.maximum(mx, pr[pl.ds(s * _L, _L)])

                m = lax.fori_loop(0, _NPAIR, max_step,
                                  jnp.full((_L,), _NEG, jnp.float32))
                ms = jnp.max(m)
                msv = jnp.full((_L,), ms)

                def key_step(s, kc):
                    off = s * _L
                    return jnp.minimum(
                        kc, jnp.where(pr[pl.ds(off, _L)] == msv,
                                      kr[pl.ds(off, _L)], _BIGI))

                kc = lax.fori_loop(0, _NPAIR, key_step,
                                   jnp.full((_L,), _BIGI, jnp.int32))
                km = jnp.min(kc)
                kmv = jnp.full((_L,), km)

                @pl.loop(0, _NPAIR)
                def _(s):
                    off = s * _L
                    pr[pl.ds(off, _L)] = jnp.where(
                        kr[pl.ds(off, _L)] == kmv, _NEG, pr[pl.ds(off, _L)])

                selv = jnp.where(lanes == t, msv, selv)
                selk = jnp.where(lanes == t, kmv, selk)
                maxv = jnp.where(t == 0, ms, maxv)
                return (selv, selk, maxv)

            selv, selk, maxv = lax.fori_loop(
                0, _TOPK, top_step,
                (jnp.zeros((_L,), jnp.float32), jnp.zeros((_L,), jnp.int32),
                 jnp.float32(0.0)))

            inv_max = jnp.full((_L,), jnp.maximum(maxv, 1e-8))
            tmask = lanes < _TOPK
            nmask = lanes < _M
            ti3 = jnp.where(tmask, lanes * 3, 0)
            tin = jnp.where(nmask, lanes + 3 * _TOPK, 0)
            plsc.store_scatter(tail, [ti3 + 2], selv / inv_max, mask=tmask)
            plsc.store_scatter(tail, [ti3],
                               (selk >> 12).astype(jnp.float32), mask=tmask)
            plsc.store_scatter(tail, [ti3 + 1],
                               (selk & (_N - 1)).astype(jnp.float32),
                               mask=tmask)
            plsc.store_scatter(tail, [tin], nr[...], mask=nmask)
            pltpu.sync_copy(tail, out_hbm.at[pl.ds(3 * _N, _TAIL)])

        ce.wait()
        cr.wait()


@functools.cache
def _sc_kernel():
    mesh = plsc.VectorSubcoreMesh(core_axis_name="c", subcore_axis_name="s")
    cp = pltpu.CompilerParams()
    if "needs_layout_passes" in pltpu.CompilerParams.__dataclass_fields__:
        cp = dataclasses.replace(cp, needs_layout_passes=False)
    return pl.kernel(
        _sc_body,
        mesh=mesh,
        compiler_params=cp,
        out_type=jax.ShapeDtypeStruct((_OUT,), jnp.float32),
        scratch_types=[
            pltpu.VMEM((_SLICE,), jnp.float32),
            pltpu.VMEM((_SLICE,), jnp.float32),
            pltpu.VMEM((_SLICE * _M,), jnp.float32),
            pltpu.VMEM((_SLICE,), jnp.float32),
            pltpu.VMEM((_L,), jnp.float32),
            pltpu.VMEM((_L,), jnp.float32),
            pltpu.VMEM((_L,), jnp.int32),
            pltpu.VMEM((_NW * _L,), jnp.float32),
            pltpu.VMEM((_NW * _L,), jnp.int32),
            pltpu.VMEM((_TAIL,), jnp.float32),
            pltpu.VMEM((_NPAIR * _L,), jnp.float32),
            pltpu.VMEM((_NPAIR * _L,), jnp.int32),
            pltpu.VMEM_SHARED((_NW * _L,), jnp.float32),
            pltpu.VMEM_SHARED((_NW * _L,), jnp.int32),
            pltpu.VMEM_SHARED((_NW * _L,), jnp.float32),
            pltpu.SemaphoreType.DMA,
            pltpu.SemaphoreType.DMA,
            pltpu.SemaphoreType.DMA,
        ],
    )


@jax.jit
def kernel(current_neuron_state, mechanism_state, prev_state):
    return _sc_kernel()(current_neuron_state, prev_state,
                        mechanism_state.reshape(-1))

# --- scband reference (transcript-rebuilt; emitter-appended) ---
"""Pipeline reference for scband-central-awareness-hub-23450521436800 (READ-ONLY COPY).

The authoritative reference and input builder live on the scoring server;
editing this copy changes nothing except your own understanding.
"""

import jax, jax.numpy as jnp
import numpy as np

N_NEURONS = 4096
N_NICHES = 8
TOP_K = 10

def setup_inputs(seed: int = 0) -> dict:
    key = jax.random.key(seed)
    kx, kM = jax.random.split(key)
    current_neuron_state = jax.random.normal(kx, (N_NEURONS,), dtype=jnp.float32)
    mechanism_state = jax.random.normal(kM, (N_NEURONS, N_NICHES), dtype=jnp.float32) * 0.01
    prev_state = jnp.zeros((N_NEURONS,), dtype=jnp.float32)
    return {"current_neuron_state": current_neuron_state, "mechanism_state": mechanism_state, "prev_state": prev_state}

def reference(current_neuron_state, mechanism_state, prev_state):
    n = N_NEURONS
    # compute_change_vector
    change = current_neuron_state - prev_state
    # decompose_change
    niche_activations = mechanism_state.T @ change
    explained = mechanism_state @ niche_activations
    residual = change - explained
    # compute_sparse_correlations (torch detaches change here)
    change_d = jax.lax.stop_gradient(change)
    co_change = jnp.outer(change_d, change_d)
    co_change = co_change * (1.0 - jnp.eye(n, dtype=co_change.dtype))  # fill_diagonal_(0)
    flat = jnp.abs(co_change).reshape(-1)
    top_k_vals, top_k_idx = jax.lax.top_k(flat, TOP_K)
    rows = (top_k_idx // n).astype(jnp.float32)
    cols = (top_k_idx % n).astype(jnp.float32)
    max_val = jnp.maximum(jnp.max(top_k_vals), 1e-08)
    strengths = top_k_vals / max_val
    triplets = jnp.stack([rows, cols, strengths], axis=1).reshape(-1)
    # step() outputs concatenated into one flat vector:
    # [change (n), explained (n), residual (n), sparse_signal (top_k*3), niche_activations (m)]
    return jnp.concatenate([change, explained, residual, triplets, niche_activations])

if __name__ == "__main__":
    import jax
    _d = setup_inputs()
    print(jax.jit(kernel)(*tuple(_d.values())))

</pallas_src>

<mosaic_0001>
#map = affine_map<(d0, d1) -> (0)>
module attributes {stable_mosaic.version = 14 : i64} {
  func.func @_sc_body(%arg0: i32, %arg1: i32, %arg2: memref<4096xf32, #tpu.memory_space<hbm>>, %arg3: memref<4096xf32, #tpu.memory_space<hbm>>, %arg4: memref<32768xf32, #tpu.memory_space<hbm>>, %arg5: memref<12326xf32, #tpu.memory_space<hbm>>, %arg6: memref<256xf32, #tpu.memory_space<vmem>>, %arg7: memref<256xf32, #tpu.memory_space<vmem>>, %arg8: memref<2048xf32, #tpu.memory_space<vmem>>, %arg9: memref<256xf32, #tpu.memory_space<vmem>>, %arg10: memref<16xf32, #tpu.memory_space<vmem>>, %arg11: memref<16xf32, #tpu.memory_space<vmem>>, %arg12: memref<16xi32, #tpu.memory_space<vmem>>, %arg13: memref<256xf32, #tpu.memory_space<vmem>>, %arg14: memref<256xi32, #tpu.memory_space<vmem>>, %arg15: memref<38xf32, #tpu.memory_space<vmem>>, %arg16: memref<112xf32, #tpu.memory_space<vmem>>, %arg17: memref<112xi32, #tpu.memory_space<vmem>>, %arg18: memref<256xf32, #tpu.memory_space<vmem_shared>>, %arg19: memref<256xi32, #tpu.memory_space<vmem_shared>>, %arg20: memref<256xf32, #tpu.memory_space<vmem_shared>>, %arg21: memref<!tpu.dma_semaphore, #tpu.memory_space<semaphore_mem>>, %arg22: memref<!tpu.dma_semaphore, #tpu.memory_space<semaphore_mem>>, %arg23: memref<!tpu.dma_semaphore, #tpu.memory_space<semaphore_mem>>) attributes {dimension_semantics = [#tpu.dimension_semantics<core_parallel>, #tpu.dimension_semantics<subcore_parallel>], iteration_bounds = array<i64: 2, 16>, scalar_prefetch = 0 : i64, scratch_operands = 18 : i64, tpu.core_type = #tpu.core_type<sc_vector_subcore>, window_params = [{transform_indices = #map}, {transform_indices = #map}, {transform_indices = #map}, {transform_indices = #map}]} {
    %iota3A = tpu.iota {dimensions = array<i32: 0>} : vector<16xi32>
    %mul3A = arith.constant 8 : i32
    %mul3A_0 = vector.broadcast %mul3A : i32 to vector<16xi32>
    %mul3A_1 = arith.muli %iota3A, %mul3A_0 : vector<16xi32>
    %eq3A = arith.constant 0 : i32
    %eq3A_2 = arith.cmpi eq, %arg0, %eq3A : i32
    %convert_element_type3A = arith.extui %eq3A_2 : i1 to i32
    %cond3A = arith.constant 0 : i32
    %cond3A_3 = arith.cmpi ne, %convert_element_type3A, %cond3A : i32
    scf.if %cond3A_3 {
      %mul3A_4 = arith.constant 256 : i32
      %mul3A_5 = arith.muli %arg1, %mul3A_4 : i32
      %mul3A_6 = arith.constant 8 : i32
      %mul3A_7 = arith.muli %mul3A_5, %mul3A_6 : i32
      %dma_start3A = tpu.memref_slice %arg4[%mul3A_7] : memref<32768xf32, #tpu.memory_space<hbm>> -> memref<2048xf32, #tpu.memory_space<hbm>>
      %dma_start3A_8 = tpu.memref_slice %arg4[%mul3A_7] : memref<32768xf32, #tpu.memory_space<hbm>> -> memref<2048xf32, #tpu.memory_space<hbm>>
      tpu.enqueue_dma source(%dma_start3A_8 : memref<2048xf32, #tpu.memory_space<hbm>>) target(%arg8 : memref<2048xf32, #tpu.memory_space<vmem>>) target_semaphore(%arg22 : memref<!tpu.dma_semaphore, #tpu.memory_space<semaphore_mem>>)
      %dma_start3A_9 = tpu.memref_slice %arg2[%mul3A_5] : memref<4096xf32, #tpu.memory_space<hbm>> -> memref<256xf32, #tpu.memory_space<hbm>>
      %dma_start3A_10 = tpu.memref_slice %arg2[%mul3A_5] : memref<4096xf32, #tpu.memory_space<hbm>> -> memref<256xf32, #tpu.memory_space<hbm>>
      tpu.enqueue_dma source(%dma_start3A_10 : memref<256xf32, #tpu.memory_space<hbm>>) target(%arg6 : memref<256xf32, #tpu.memory_space<vmem>>) target_semaphore(%arg21 : memref<!tpu.dma_semaphore, #tpu.memory_space<semaphore_mem>>)
      %dma_start3A_11 = tpu.memref_slice %arg3[%mul3A_5] : memref<4096xf32, #tpu.memory_space<hbm>> -> memref<256xf32, #tpu.memory_space<hbm>>
      %dma_start3A_12 = tpu.memref_slice %arg3[%mul3A_5] : memref<4096xf32, #tpu.memory_space<hbm>> -> memref<256xf32, #tpu.memory_space<hbm>>
      tpu.enqueue_dma source(%dma_start3A_12 : memref<256xf32, #tpu.memory_space<hbm>>) target(%arg7 : memref<256xf32, #tpu.memory_space<vmem>>) target_semaphore(%arg21 : memref<!tpu.dma_semaphore, #tpu.memory_space<semaphore_mem>>)
      %dma_wait3A = tpu.memref_slice %arg2[%mul3A_5] : memref<4096xf32, #tpu.memory_space<hbm>> -> memref<256xf32, #tpu.memory_space<hbm>>
      %dma_wait3A_13 = tpu.memref_slice %arg2[%mul3A_5] : memref<4096xf32, #tpu.memory_space<hbm>> -> memref<256xf32, #tpu.memory_space<hbm>>
      tpu.wait_dma2 semaphore(%arg21 : memref<!tpu.dma_semaphore, #tpu.memory_space<semaphore_mem>>) src(%dma_wait3A_13 : memref<256xf32, #tpu.memory_space<hbm>>) dst(%arg6 : memref<256xf32, #tpu.memory_space<vmem>>)
      %dma_wait3A_14 = tpu.memref_slice %arg3[%mul3A_5] : memref<4096xf32, #tpu.memory_space<hbm>> -> memref<256xf32, #tpu.memory_space<hbm>>
      %dma_wait3A_15 = tpu.memref_slice %arg3[%mul3A_5] : memref<4096xf32, #tpu.memory_space<hbm>> -> memref<256xf32, #tpu.memory_space<hbm>>
      tpu.wait_dma2 semaphore(%arg21 : memref<!tpu.dma_semaphore, #tpu.memory_space<semaphore_mem>>) src(%dma_wait3A_15 : memref<256xf32, #tpu.memory_space<hbm>>) dst(%arg7 : memref<256xf32, #tpu.memory_space<vmem>>)
      %broadcast_in_dim3A = arith.constant -1.000000e+00 : f32
      %broadcast_in_dim3A_16 = vector.broadcast %broadcast_in_dim3A : f32 to vector<16xf32>
      %broadcast_in_dim3A_17 = arith.constant 0 : i32
      %broadcast_in_dim3A_18 = vector.broadcast %broadcast_in_dim3A_17 : i32 to vector<16xi32>
      %scan3A = arith.constant 0 : i32
      %scan3A_19 = arith.constant 16 : i32
      %scan3A_20 = arith.addi %scan3A, %scan3A_19 : i32
      %scan3A_21 = arith.constant 1 : i32
      %scan3A_22:2 = scf.for %scan3A_116 = %scan3A to %scan3A_20 step %scan3A_21 iter_args(%scan3A_117 = %broadcast_in_dim3A_16, %scan3A_118 = %broadcast_in_dim3A_18) -> (vector<16xf32>, vector<16xi32>)  : i32 {
        %mul3A_119 = arith.constant 16 : i32
        %mul3A_120 = arith.muli %scan3A_116, %mul3A_119 : i32
        %get3A = arith.index_cast %mul3A_120 : i32 to index
        %get3A_121 = tpu.vector_load %arg6[%get3A] {strides = array<i32>} : memref<256xf32, #tpu.memory_space<vmem>>, vector<16xf32>,
        %get3A_122 = arith.index_cast %mul3A_120 : i32 to index
        %get3A_123 = tpu.vector_load %arg7[%get3A_122] {strides = array<i32>} : memref<256xf32, #tpu.memory_space<vmem>>, vector<16xf32>,
        %sub3A = arith.subf %get3A_121, %get3A_123 : vector<16xf32>
        %swap3A_124 = arith.index_cast %mul3A_120 : i32 to index
        %swap3A_125 = tpu.vector_load %arg9[%swap3A_124] {strides = array<i32>} : memref<256xf32, #tpu.memory_space<vmem>>, vector<16xf32>,
        tpu.vector_store %arg9[%swap3A_124], %sub3A {strides = array<i32>} : memref<256xf32, #tpu.memory_space<vmem>>, vector<16xf32>,
        %abs3A = math.absf %sub3A : vector<16xf32>
        %add3A_126 = arith.addi %mul3A_5, %mul3A_120 : i32
        %add3A_127 = vector.broadcast %add3A_126 : i32 to vector<16xi32>
        %add3A_128 = arith.addi %iota3A, %add3A_127 : vector<16xi32>
        %masked_sort3A = arith.constant dense<true> : vector<16xi1>
        %masked_sort3A_129, %masked_sort3A_130, %masked_sort3A_131 = tpu.sort %abs3A, %add3A_128 masked %masked_sort3A {descending = true} : (vector<16xf32>, vector<16xi32>, vector<16xi1>) -> (vector<16xi1>, vector<16xf32>, vector<16xi32>)
        %gt3A = arith.cmpf ogt, %masked_sort3A_130, %scan3A_117 : vector<16xf32>
        %select_n3A_132 = arith.select %gt3A, %masked_sort3A_130, %scan3A_117 : vector<16xi1>, vector<16xf32>
        %select_n3A_133 = arith.select %gt3A, %masked_sort3A_131, %scan3A_118 : vector<16xi1>, vector<16xi32>
        %masked_sort3A_134 = arith.constant dense<true> : vector<16xi1>
        %masked_sort3A_135, %masked_sort3A_136, %masked_sort3A_137 = tpu.sort %select_n3A_132, %select_n3A_133 masked %masked_sort3A_134 : (vector<16xf32>, vector<16xi32>, vector<16xi1>) -> (vector<16xi1>, vector<16xf32>, vector<16xi32>)
        scf.yield %masked_sort3A_136, %masked_sort3A_137 : vector<16xf32>, vector<16xi32>
      }
      %scan3A_23 = arith.constant 16 : i32
      %dma_start3A_24 = tpu.memref_slice %arg5[%mul3A_5] : memref<12326xf32, #tpu.memory_space<hbm>> -> memref<256xf32, #tpu.memory_space<hbm>>
      %dma_start3A_25 = tpu.memref_slice %arg5[%mul3A_5] : memref<12326xf32, #tpu.memory_space<hbm>> -> memref<256xf32, #tpu.memory_space<hbm>>
      tpu.enqueue_dma source(%arg9 : memref<256xf32, #tpu.memory_space<vmem>>) target(%dma_start3A_25 : memref<256xf32, #tpu.memory_space<hbm>>) target_semaphore(%arg23 : memref<!tpu.dma_semaphore, #tpu.memory_space<semaphore_mem>>)
      %swap3A = arith.constant 0 : index
      %swap3A_26 = tpu.vector_load %arg11[%swap3A] {strides = array<i32>} : memref<16xf32, #tpu.memory_space<vmem>>, vector<16xf32>,
      tpu.vector_store %arg11[%swap3A], %scan3A_22#0 {strides = array<i32>} : memref<16xf32, #tpu.memory_space<vmem>>, vector<16xf32>,
      %swap3A_27 = arith.constant 0 : index
      %swap3A_28 = tpu.vector_load %arg12[%swap3A_27] {strides = array<i32>} : memref<16xi32, #tpu.memory_space<vmem>>, vector<16xi32>,
      tpu.vector_store %arg12[%swap3A_27], %scan3A_22#1 {strides = array<i32>} : memref<16xi32, #tpu.memory_space<vmem>>, vector<16xi32>,
      %dma_wait3A_29 = tpu.memref_slice %arg4[%mul3A_7] : memref<32768xf32, #tpu.memory_space<hbm>> -> memref<2048xf32, #tpu.memory_space<hbm>>
      %dma_wait3A_30 = tpu.memref_slice %arg4[%mul3A_7] : memref<32768xf32, #tpu.memory_space<hbm>> -> memref<2048xf32, #tpu.memory_space<hbm>>
      tpu.wait_dma2 semaphore(%arg22 : memref<!tpu.dma_semaphore, #tpu.memory_space<semaphore_mem>>) src(%dma_wait3A_30 : memref<2048xf32, #tpu.memory_space<hbm>>) dst(%arg8 : memref<2048xf32, #tpu.memory_space<vmem>>)
      %shift_right_arithmetic3A = arith.constant 3 : i32
      %shift_right_arithmetic3A_31 = vector.broadcast %shift_right_arithmetic3A : i32 to vector<16xi32>
      %shift_right_arithmetic3A_32 = arith.shrsi %iota3A, %shift_right_arithmetic3A_31 : vector<16xi32>
      %broadcast_in_dim3A_33 = arith.constant 0.000000e+00 : f32
      %broadcast_in_dim3A_34 = vector.broadcast %broadcast_in_dim3A_33 : f32 to vector<16xf32>
      %scan3A_35 = arith.constant 0 : i32
      %scan3A_36 = arith.constant 32 : i32
      %scan3A_37 = arith.addi %scan3A_35, %scan3A_36 : i32
      %scan3A_38 = arith.constant 1 : i32
      %scan3A_39 = scf.for %scan3A_116 = %scan3A_35 to %scan3A_37 step %scan3A_38 iter_args(%scan3A_117 = %broadcast_in_dim3A_34) -> (vector<16xf32>)  : i32 {
        %mul3A_118 = arith.constant 4 : i32
        %mul3A_119 = arith.muli %scan3A_116, %mul3A_118 : i32
        %add3A_120 = arith.constant 0 : i32
        %add3A_121 = arith.addi %mul3A_119, %add3A_120 : i32
        %mul3A_122 = arith.constant 16 : i32
        %mul3A_123 = arith.muli %add3A_121, %mul3A_122 : i32
        %get3A = arith.index_cast %mul3A_123 : i32 to index
        %get3A_124 = tpu.vector_load %arg8[%get3A] {strides = array<i32>} : memref<2048xf32, #tpu.memory_space<vmem>>, vector<16xf32>,
        %mul3A_125 = arith.constant 2 : i32
        %mul3A_126 = arith.muli %mul3A_125, %add3A_121 : i32
        %add3A_127 = vector.broadcast %mul3A_126 : i32 to vector<16xi32>
        %add3A_128 = arith.addi %shift_right_arithmetic3A_32, %add3A_127 : vector<16xi32>
        %gather3A_129 = tpu.vector_load_idx %arg9[%add3A_128] : memref<256xf32, #tpu.memory_space<vmem>>[vector<16xi32>], vector<16xf32>,
        %mul3A_130 = arith.mulf %get3A_124, %gather3A_129 : vector<16xf32>
        %add3A_131 = arith.addf %scan3A_117, %mul3A_130 : vector<16xf32>
        %mul3A_132 = arith.constant 4 : i32
        %mul3A_133 = arith.muli %scan3A_116, %mul3A_132 : i32
        %add3A_134 = arith.constant 1 : i32
        %add3A_135 = arith.addi %mul3A_133, %add3A_134 : i32
        %mul3A_136 = arith.constant 16 : i32
        %mul3A_137 = arith.muli %add3A_135, %mul3A_136 : i32
        %get3A_138 = arith.index_cast %mul3A_137 : i32 to index
        %get3A_139 = tpu.vector_load %arg8[%get3A_138] {strides = array<i32>} : memref<2048xf32, #tpu.memory_space<vmem>>, vector<16xf32>,
        %mul3A_140 = arith.constant 2 : i32
        %mul3A_141 = arith.muli %mul3A_140, %add3A_135 : i32
        %add3A_142 = vector.broadcast %mul3A_141 : i32 to vector<16xi32>
        %add3A_143 = arith.addi %shift_right_arithmetic3A_32, %add3A_142 : vector<16xi32>
        %gather3A_144 = tpu.vector_load_idx %arg9[%add3A_143] : memref<256xf32, #tpu.memory_space<vmem>>[vector<16xi32>], vector<16xf32>,
        %mul3A_145 = arith.mulf %get3A_139, %gather3A_144 : vector<16xf32>
        %add3A_146 = arith.addf %add3A_131, %mul3A_145 : vector<16xf32>
        %mul3A_147 = arith.constant 4 : i32
        %mul3A_148 = arith.muli %scan3A_116, %mul3A_147 : i32
        %add3A_149 = arith.constant 2 : i32
        %add3A_150 = arith.addi %mul3A_148, %add3A_149 : i32
        %mul3A_151 = arith.constant 16 : i32
        %mul3A_152 = arith.muli %add3A_150, %mul3A_151 : i32
        %get3A_153 = arith.index_cast %mul3A_152 : i32 to index
        %get3A_154 = tpu.vector_load %arg8[%get3A_153] {strides = array<i32>} : memref<2048xf32, #tpu.memory_space<vmem>>, vector<16xf32>,
        %mul3A_155 = arith.constant 2 : i32
        %mul3A_156 = arith.muli %mul3A_155, %add3A_150 : i32
        %add3A_157 = vector.broadcast %mul3A_156 : i32 to vector<16xi32>
        %add3A_158 = arith.addi %shift_right_arithmetic3A_32, %add3A_157 : vector<16xi32>
        %gather3A_159 = tpu.vector_load_idx %arg9[%add3A_158] : memref<256xf32, #tpu.memory_space<vmem>>[vector<16xi32>], vector<16xf32>,
        %mul3A_160 = arith.mulf %get3A_154, %gather3A_159 : vector<16xf32>
        %add3A_161 = arith.addf %add3A_146, %mul3A_160 : vector<16xf32>
        %mul3A_162 = arith.constant 4 : i32
        %mul3A_163 = arith.muli %scan3A_116, %mul3A_162 : i32
        %add3A_164 = arith.constant 3 : i32
        %add3A_165 = arith.addi %mul3A_163, %add3A_164 : i32
        %mul3A_166 = arith.constant 16 : i32
        %mul3A_167 = arith.muli %add3A_165, %mul3A_166 : i32
        %get3A_168 = arith.index_cast %mul3A_167 : i32 to index
        %get3A_169 = tpu.vector_load %arg8[%get3A_168] {strides = array<i32>} : memref<2048xf32, #tpu.memory_space<vmem>>, vector<16xf32>,
        %mul3A_170 = arith.constant 2 : i32
        %mul3A_171 = arith.muli %mul3A_170, %add3A_165 : i32
        %add3A_172 = vector.broadcast %mul3A_171 : i32 to vector<16xi32>
        %add3A_173 = arith.addi %shift_right_arithmetic3A_32, %add3A_172 : vector<16xi32>
        %gather3A_174 = tpu.vector_load_idx %arg9[%add3A_173] : memref<256xf32, #tpu.memory_space<vmem>>[vector<16xi32>], vector<16xf32>,
        %mul3A_175 = arith.mulf %get3A_169, %gather3A_174 : vector<16xf32>
        %add3A_176 = arith.addf %add3A_161, %mul3A_175 : vector<16xf32>
        scf.yield %add3A_176 : vector<16xf32>
      }
      %scan3A_40 = arith.constant 32 : i32
      %swap3A_41 = arith.constant 0 : index
      %swap3A_42 = tpu.vector_load %arg10[%swap3A_41] {strides = array<i32>} : memref<16xf32, #tpu.memory_space<vmem>>, vector<16xf32>,
      tpu.vector_store %arg10[%swap3A_41], %scan3A_39 {strides = array<i32>} : memref<16xf32, #tpu.memory_space<vmem>>, vector<16xf32>,
      %and3A = arith.constant 7 : i32
      %and3A_43 = vector.broadcast %and3A : i32 to vector<16xi32>
      %and3A_44 = arith.andi %iota3A, %and3A_43 : vector<16xi32>
      %or3A = arith.constant 8 : i32
      %or3A_45 = vector.broadcast %or3A : i32 to vector<16xi32>
      %or3A_46 = arith.ori %and3A_44, %or3A_45 : vector<16xi32>
      %gather3A = tpu.vector_load_idx %arg10[%or3A_46] : memref<16xf32, #tpu.memory_space<vmem>>[vector<16xi32>], vector<16xf32>,
      %add3A = arith.addf %scan3A_39, %gather3A : vector<16xf32>
      %lt3A = arith.constant 8 : i32
      %lt3A_47 = vector.broadcast %lt3A : i32 to vector<16xi32>
      %lt3A_48 = arith.cmpi slt, %iota3A, %lt3A_47 : vector<16xi32>
      %jit3A = arith.constant 0.000000e+00 : f32
      %broadcast_in_dim3A_49 = vector.broadcast %jit3A : f32 to vector<16xf32>
      %select_n3A = arith.select %lt3A_48, %add3A, %broadcast_in_dim3A_49 : vector<16xi1>, vector<16xf32>
      %swap3A_50 = arith.constant 0 : index
      %swap3A_51 = tpu.vector_load %arg10[%swap3A_50] {strides = array<i32>} : memref<16xf32, #tpu.memory_space<vmem>>, vector<16xf32>,
      tpu.vector_store %arg10[%swap3A_50], %select_n3A {strides = array<i32>} : memref<16xf32, #tpu.memory_space<vmem>>, vector<16xf32>,
      %dma_wait3A_52 = tpu.memref_slice %arg5[%mul3A_5] : memref<12326xf32, #tpu.memory_space<hbm>> -> memref<256xf32, #tpu.memory_space<hbm>>
      %dma_wait3A_53 = tpu.memref_slice %arg5[%mul3A_5] : memref<12326xf32, #tpu.memory_space<hbm>> -> memref<256xf32, #tpu.memory_space<hbm>>
      tpu.wait_dma2 semaphore(%arg23 : memref<!tpu.dma_semaphore, #tpu.memory_space<semaphore_mem>>) src(%arg9 : memref<256xf32, #tpu.memory_space<vmem>>) dst(%dma_wait3A_53 : memref<256xf32, #tpu.memory_space<hbm>>)
      %mul3A_54 = arith.constant 16 : i32
      %mul3A_55 = arith.muli %arg1, %mul3A_54 : i32
      "tpu.region"() ({
        %run_scoped3A = tpu.sem_alloc : memref<!tpu.dma_semaphore, #tpu.memory_space<semaphore_mem>>
        %dma_start3A_116 = tpu.memref_slice %arg20[%mul3A_55] : memref<256xf32, #tpu.memory_space<vmem_shared>> -> memref<16xf32, #tpu.memory_space<vmem_shared>>
        %dma_start3A_117 = tpu.memref_slice %arg20[%mul3A_55] : memref<256xf32, #tpu.memory_space<vmem_shared>> -> memref<16xf32, #tpu.memory_space<vmem_shared>>
        tpu.enqueue_dma source(%arg10 : memref<16xf32, #tpu.memory_space<vmem>>) target(%dma_start3A_117 : memref<16xf32, #tpu.memory_space<vmem_shared>>) target_semaphore(%run_scoped3A : memref<!tpu.dma_semaphore, #tpu.memory_space<semaphore_mem>>)
        %dma_wait3A_118 = tpu.memref_slice %arg20[%mul3A_55] : memref<256xf32, #tpu.memory_space<vmem_shared>> -> memref<16xf32, #tpu.memory_space<vmem_shared>>
        %dma_wait3A_119 = tpu.memref_slice %arg20[%mul3A_55] : memref<256xf32, #tpu.memory_space<vmem_shared>> -> memref<16xf32, #tpu.memory_space<vmem_shared>>
        tpu.wait_dma2 semaphore(%run_scoped3A : memref<!tpu.dma_semaphore, #tpu.memory_space<semaphore_mem>>) src(%arg10 : memref<16xf32, #tpu.memory_space<vmem>>) dst(%dma_wait3A_119 : memref<16xf32, #tpu.memory_space<vmem_shared>>)
        tpu.yield
      }) : () -> ()
      %mul3A_56 = arith.constant 16 : i32
      %mul3A_57 = arith.muli %arg1, %mul3A_56 : i32
      "tpu.region"() ({
        %run_scoped3A = tpu.sem_alloc : memref<!tpu.dma_semaphore, #tpu.memory_space<semaphore_mem>>
        %dma_start3A_116 = tpu.memref_slice %arg18[%mul3A_57] : memref<256xf32, #tpu.memory_space<vmem_shared>> -> memref<16xf32, #tpu.memory_space<vmem_shared>>
        %dma_start3A_117 = tpu.memref_slice %arg18[%mul3A_57] : memref<256xf32, #tpu.memory_space<vmem_shared>> -> memref<16xf32, #tpu.memory_space<vmem_shared>>
        tpu.enqueue_dma source(%arg11 : memref<16xf32, #tpu.memory_space<vmem>>) target(%dma_start3A_117 : memref<16xf32, #tpu.memory_space<vmem_shared>>) target_semaphore(%run_scoped3A : memref<!tpu.dma_semaphore, #tpu.memory_space<semaphore_mem>>)
        %dma_wait3A_118 = tpu.memref_slice %arg18[%mul3A_57] : memref<256xf32, #tpu.memory_space<vmem_shared>> -> memref<16xf32, #tpu.memory_space<vmem_shared>>
        %dma_wait3A_119 = tpu.memref_slice %arg18[%mul3A_57] : memref<256xf32, #tpu.memory_space<vmem_shared>> -> memref<16xf32, #tpu.memory_space<vmem_shared>>
        tpu.wait_dma2 semaphore(%run_scoped3A : memref<!tpu.dma_semaphore, #tpu.memory_space<semaphore_mem>>) src(%arg11 : memref<16xf32, #tpu.memory_space<vmem>>) dst(%dma_wait3A_119 : memref<16xf32, #tpu.memory_space<vmem_shared>>)
        tpu.yield
      }) : () -> ()
      %mul3A_58 = arith.constant 16 : i32
      %mul3A_59 = arith.muli %arg1, %mul3A_58 : i32
      "tpu.region"() ({
        %run_scoped3A = tpu.sem_alloc : memref<!tpu.dma_semaphore, #tpu.memory_space<semaphore_mem>>
        %dma_start3A_116 = tpu.memref_slice %arg19[%mul3A_59] : memref<256xi32, #tpu.memory_space<vmem_shared>> -> memref<16xi32, #tpu.memory_space<vmem_shared>>
        %dma_start3A_117 = tpu.memref_slice %arg19[%mul3A_59] : memref<256xi32, #tpu.memory_space<vmem_shared>> -> memref<16xi32, #tpu.memory_space<vmem_shared>>
        tpu.enqueue_dma source(%arg12 : memref<16xi32, #tpu.memory_space<vmem>>) target(%dma_start3A_117 : memref<16xi32, #tpu.memory_space<vmem_shared>>) target_semaphore(%run_scoped3A : memref<!tpu.dma_semaphore, #tpu.memory_space<semaphore_mem>>)
        %dma_wait3A_118 = tpu.memref_slice %arg19[%mul3A_59] : memref<256xi32, #tpu.memory_space<vmem_shared>> -> memref<16xi32, #tpu.memory_space<vmem_shared>>
        %dma_wait3A_119 = tpu.memref_slice %arg19[%mul3A_59] : memref<256xi32, #tpu.memory_space<vmem_shared>> -> memref<16xi32, #tpu.memory_space<vmem_shared>>
        tpu.wait_dma2 semaphore(%run_scoped3A : memref<!tpu.dma_semaphore, #tpu.memory_space<semaphore_mem>>) src(%arg12 : memref<16xi32, #tpu.memory_space<vmem>>) dst(%dma_wait3A_119 : memref<16xi32, #tpu.memory_space<vmem_shared>>)
        tpu.yield
      }) : () -> ()
      %barrier3A = arith.constant 0 : index
      tpu.barrier barrier_id(%barrier3A)
      "tpu.region"() ({
        %run_scoped3A = tpu.sem_alloc : memref<!tpu.dma_semaphore, #tpu.memory_space<semaphore_mem>>
        tpu.enqueue_dma source(%arg20 : memref<256xf32, #tpu.memory_space<vmem_shared>>) target(%arg13 : memref<256xf32, #tpu.memory_space<vmem>>) target_semaphore(%run_scoped3A : memref<!tpu.dma_semaphore, #tpu.memory_space<semaphore_mem>>)
        tpu.wait_dma2 semaphore(%run_scoped3A : memref<!tpu.dma_semaphore, #tpu.memory_space<semaphore_mem>>) src(%arg20 : memref<256xf32, #tpu.memory_space<vmem_shared>>) dst(%arg13 : memref<256xf32, #tpu.memory_space<vmem>>)
        tpu.yield
      }) : () -> ()
      %broadcast_in_dim3A_60 = arith.constant 0.000000e+00 : f32
      %broadcast_in_dim3A_61 = vector.broadcast %broadcast_in_dim3A_60 : f32 to vector<16xf32>
      %scan3A_62 = arith.constant 0 : i32
      %scan3A_63 = arith.constant 16 : i32
      %scan3A_64 = arith.addi %scan3A_62, %scan3A_63 : i32
      %scan3A_65 = arith.constant 1 : i32
      %scan3A_66 = scf.for %scan3A_116 = %scan3A_62 to %scan3A_64 step %scan3A_65 iter_args(%scan3A_117 = %broadcast_in_dim3A_61) -> (vector<16xf32>)  : i32 {
        %mul3A_118 = arith.constant 16 : i32
        %mul3A_119 = arith.muli %scan3A_116, %mul3A_118 : i32
        %get3A = arith.index_cast %mul3A_119 : i32 to index
        %get3A_120 = tpu.vector_load %arg13[%get3A] {strides = array<i32>} : memref<256xf32, #tpu.memory_space<vmem>>, vector<16xf32>,
        %add3A_121 = arith.addf %scan3A_117, %get3A_120 : vector<16xf32>
        scf.yield %add3A_121 : vector<16xf32>
      }
      %scan3A_67 = arith.constant 16 : i32
      %swap3A_68 = arith.constant 0 : index
      %swap3A_69 = tpu.vector_load %arg10[%swap3A_68] {strides = array<i32>} : memref<16xf32, #tpu.memory_space<vmem>>, vector<16xf32>,
      tpu.vector_store %arg10[%swap3A_68], %scan3A_66 {strides = array<i32>} : memref<16xf32, #tpu.memory_space<vmem>>, vector<16xf32>,
      %broadcast_in_dim3A_70 = arith.constant 0 : i32
      %broadcast_in_dim3A_71 = vector.broadcast %broadcast_in_dim3A_70 : i32 to vector<16xi32>
      %gather3A_72 = tpu.vector_load_idx %arg10[%broadcast_in_dim3A_71] : memref<16xf32, #tpu.memory_space<vmem>>[vector<16xi32>], vector<16xf32>,
      %broadcast_in_dim3A_73 = arith.constant 1 : i32
      %broadcast_in_dim3A_74 = vector.broadcast %broadcast_in_dim3A_73 : i32 to vector<16xi32>
      %gather3A_75 = tpu.vector_load_idx %arg10[%broadcast_in_dim3A_74] : memref<16xf32, #tpu.memory_space<vmem>>[vector<16xi32>], vector<16xf32>,
      %broadcast_in_dim3A_76 = arith.constant 2 : i32
      %broadcast_in_dim3A_77 = vector.broadcast %broadcast_in_dim3A_76 : i32 to vector<16xi32>
      %gather3A_78 = tpu.vector_load_idx %arg10[%broadcast_in_dim3A_77] : memref<16xf32, #tpu.memory_space<vmem>>[vector<16xi32>], vector<16xf32>,
      %broadcast_in_dim3A_79 = arith.constant 3 : i32
      %broadcast_in_dim3A_80 = vector.broadcast %broadcast_in_dim3A_79 : i32 to vector<16xi32>
      %gather3A_81 = tpu.vector_load_idx %arg10[%broadcast_in_dim3A_80] : memref<16xf32, #tpu.memory_space<vmem>>[vector<16xi32>], vector<16xf32>,
      %broadcast_in_dim3A_82 = arith.constant 4 : i32
      %broadcast_in_dim3A_83 = vector.broadcast %broadcast_in_dim3A_82 : i32 to vector<16xi32>
      %gather3A_84 = tpu.vector_load_idx %arg10[%broadcast_in_dim3A_83] : memref<16xf32, #tpu.memory_space<vmem>>[vector<16xi32>], vector<16xf32>,
      %broadcast_in_dim3A_85 = arith.constant 5 : i32
      %broadcast_in_dim3A_86 = vector.broadcast %broadcast_in_dim3A_85 : i32 to vector<16xi32>
      %gather3A_87 = tpu.vector_load_idx %arg10[%broadcast_in_dim3A_86] : memref<16xf32, #tpu.memory_space<vmem>>[vector<16xi32>], vector<16xf32>,
      %broadcast_in_dim3A_88 = arith.constant 6 : i32
      %broadcast_in_dim3A_89 = vector.broadcast %broadcast_in_dim3A_88 : i32 to vector<16xi32>
      %gather3A_90 = tpu.vector_load_idx %arg10[%broadcast_in_dim3A_89] : memref<16xf32, #tpu.memory_space<vmem>>[vector<16xi32>], vector<16xf32>,
      %broadcast_in_dim3A_91 = arith.constant 7 : i32
      %broadcast_in_dim3A_92 = vector.broadcast %broadcast_in_dim3A_91 : i32 to vector<16xi32>
      %gather3A_93 = tpu.vector_load_idx %arg10[%broadcast_in_dim3A_92] : memref<16xf32, #tpu.memory_space<vmem>>[vector<16xi32>], vector<16xf32>,
      %scan3A_94 = arith.constant 0 : i32
      %scan3A_95 = arith.constant 16 : i32
      %scan3A_96 = arith.addi %scan3A_94, %scan3A_95 : i32
      %scan3A_97 = arith.constant 1 : i32
      scf.for %scan3A_116 = %scan3A_94 to %scan3A_96 step %scan3A_97  : i32 {
        %mul3A_117 = arith.constant 1 : i32
        %mul3A_118 = arith.muli %scan3A_116, %mul3A_117 : i32
        %add3A_119 = arith.constant 0 : i32
        %add3A_120 = arith.addi %add3A_119, %mul3A_118 : i32
        %mul3A_121 = arith.constant 16 : i32
        %mul3A_122 = arith.muli %add3A_120, %mul3A_121 : i32
        %get3A = arith.index_cast %mul3A_122 : i32 to index
        %get3A_123 = tpu.vector_load %arg9[%get3A] {strides = array<i32>} : memref<256xf32, #tpu.memory_space<vmem>>, vector<16xf32>,
        %mul3A_124 = arith.constant 8 : i32
        %mul3A_125 = arith.muli %mul3A_122, %mul3A_124 : i32
        %add3A_126 = vector.broadcast %mul3A_125 : i32 to vector<16xi32>
        %add3A_127 = arith.addi %mul3A_1, %add3A_126 : vector<16xi32>
        %gather3A_128 = tpu.vector_load_idx %arg8[%add3A_127] : memref<2048xf32, #tpu.memory_space<vmem>>[vector<16xi32>], vector<16xf32>,
        %mul3A_129 = arith.mulf %gather3A_72, %gather3A_128 : vector<16xf32>
        %add3A_130 = arith.constant 1 : i32
        %add3A_131 = vector.broadcast %add3A_130 : i32 to vector<16xi32>
        %add3A_132 = arith.addi %add3A_127, %add3A_131 : vector<16xi32>
        %gather3A_133 = tpu.vector_load_idx %arg8[%add3A_132] : memref<2048xf32, #tpu.memory_space<vmem>>[vector<16xi32>], vector<16xf32>,
        %mul3A_134 = arith.mulf %gather3A_75, %gather3A_133 : vector<16xf32>
        %add3A_135 = arith.addf %mul3A_129, %mul3A_134 : vector<16xf32>
        %add3A_136 = arith.constant 2 : i32
        %add3A_137 = vector.broadcast %add3A_136 : i32 to vector<16xi32>
        %add3A_138 = arith.addi %add3A_127, %add3A_137 : vector<16xi32>
        %gather3A_139 = tpu.vector_load_idx %arg8[%add3A_138] : memref<2048xf32, #tpu.memory_space<vmem>>[vector<16xi32>], vector<16xf32>,
        %mul3A_140 = arith.mulf %gather3A_78, %gather3A_139 : vector<16xf32>
        %add3A_141 = arith.addf %add3A_135, %mul3A_140 : vector<16xf32>
        %add3A_142 = arith.constant 3 : i32
        %add3A_143 = vector.broadcast %add3A_142 : i32 to vector<16xi32>
        %add3A_144 = arith.addi %add3A_127, %add3A_143 : vector<16xi32>
        %gather3A_145 = tpu.vector_load_idx %arg8[%add3A_144] : memref<2048xf32, #tpu.memory_space<vmem>>[vector<16xi32>], vector<16xf32>,
        %mul3A_146 = arith.mulf %gather3A_81, %gather3A_145 : vector<16xf32>
        %add3A_147 = arith.addf %add3A_141, %mul3A_146 : vector<16xf32>
        %add3A_148 = arith.constant 4 : i32
        %add3A_149 = vector.broadcast %add3A_148 : i32 to vector<16xi32>
        %add3A_150 = arith.addi %add3A_127, %add3A_149 : vector<16xi32>
        %gather3A_151 = tpu.vector_load_idx %arg8[%add3A_150] : memref<2048xf32, #tpu.memory_space<vmem>>[vector<16xi32>], vector<16xf32>,
        %mul3A_152 = arith.mulf %gather3A_84, %gather3A_151 : vector<16xf32>
        %add3A_153 = arith.addf %add3A_147, %mul3A_152 : vector<16xf32>
        %add3A_154 = arith.constant 5 : i32
        %add3A_155 = vector.broadcast %add3A_154 : i32 to vector<16xi32>
        %add3A_156 = arith.addi %add3A_127, %add3A_155 : vector<16xi32>
        %gather3A_157 = tpu.vector_load_idx %arg8[%add3A_156] : memref<2048xf32, #tpu.memory_space<vmem>>[vector<16xi32>], vector<16xf32>,
        %mul3A_158 = arith.mulf %gather3A_87, %gather3A_157 : vector<16xf32>
        %add3A_159 = arith.addf %add3A_153, %mul3A_158 : vector<16xf32>
        %add3A_160 = arith.constant 6 : i32
        %add3A_161 = vector.broadcast %add3A_160 : i32 to vector<16xi32>
        %add3A_162 = arith.addi %add3A_127, %add3A_161 : vector<16xi32>
        %gather3A_163 = tpu.vector_load_idx %arg8[%add3A_162] : memref<2048xf32, #tpu.memory_space<vmem>>[vector<16xi32>], vector<16xf32>,
        %mul3A_164 = arith.mulf %gather3A_90, %gather3A_163 : vector<16xf32>
        %add3A_165 = arith.addf %add3A_159, %mul3A_164 : vector<16xf32>
        %add3A_166 = arith.constant 7 : i32
        %add3A_167 = vector.broadcast %add3A_166 : i32 to vector<16xi32>
        %add3A_168 = arith.addi %add3A_127, %add3A_167 : vector<16xi32>
        %gather3A_169 = tpu.vector_load_idx %arg8[%add3A_168] : memref<2048xf32, #tpu.memory_space<vmem>>[vector<16xi32>], vector<16xf32>,
        %mul3A_170 = arith.mulf %gather3A_93, %gather3A_169 : vector<16xf32>
        %add3A_171 = arith.addf %add3A_165, %mul3A_170 : vector<16xf32>
        %swap3A_172 = arith.index_cast %mul3A_122 : i32 to index
        %swap3A_173 = tpu.vector_load %arg9[%swap3A_172] {strides = array<i32>} : memref<256xf32, #tpu.memory_space<vmem>>, vector<16xf32>,
        tpu.vector_store %arg9[%swap3A_172], %add3A_171 {strides = array<i32>} : memref<256xf32, #tpu.memory_space<vmem>>, vector<16xf32>,
        %sub3A = arith.subf %get3A_123, %add3A_171 : vector<16xf32>
        %swap3A_174 = arith.index_cast %mul3A_122 : i32 to index
        %swap3A_175 = tpu.vector_load %arg6[%swap3A_174] {strides = array<i32>} : memref<256xf32, #tpu.memory_space<vmem>>, vector<16xf32>,
        tpu.vector_store %arg6[%swap3A_174], %sub3A {strides = array<i32>} : memref<256xf32, #tpu.memory_space<vmem>>, vector<16xf32>,
      }
      %scan3A_98 = arith.constant 16 : i32
      %add3A_99 = arith.constant 4096 : i32
      %add3A_100 = arith.addi %add3A_99, %mul3A_5 : i32
      %dma_start3A_101 = tpu.memref_slice %arg5[%add3A_100] : memref<12326xf32, #tpu.memory_space<hbm>> -> memref<256xf32, #tpu.memory_space<hbm>>
      %dma_start3A_102 = tpu.memref_slice %arg5[%add3A_100] : memref<12326xf32, #tpu.memory_space<hbm>> -> memref<256xf32, #tpu.memory_space<hbm>>
      tpu.enqueue_dma source(%arg9 : memref<256xf32, #tpu.memory_space<vmem>>) target(%dma_start3A_102 : memref<256xf32, #tpu.memory_space<hbm>>) target_semaphore(%arg23 : memref<!tpu.dma_semaphore, #tpu.memory_space<semaphore_mem>>)
      %add3A_103 = arith.constant 8192 : i32
      %add3A_104 = arith.addi %add3A_103, %mul3A_5 : i32
      %dma_start3A_105 = tpu.memref_slice %arg5[%add3A_104] : memref<12326xf32, #tpu.memory_space<hbm>> -> memref<256xf32, #tpu.memory_space<hbm>>
      %dma_start3A_106 = tpu.memref_slice %arg5[%add3A_104] : memref<12326xf32, #tpu.memory_space<hbm>> -> memref<256xf32, #tpu.memory_space<hbm>>
      tpu.enqueue_dma source(%arg6 : memref<256xf32, #tpu.memory_space<vmem>>) target(%dma_start3A_106 : memref<256xf32, #tpu.memory_space<hbm>>) target_semaphore(%arg23 : memref<!tpu.dma_semaphore, #tpu.memory_space<semaphore_mem>>)
      %eq3A_107 = arith.constant 0 : i32
      %eq3A_108 = arith.cmpi eq, %arg1, %eq3A_107 : i32
      %convert_element_type3A_109 = arith.extui %eq3A_108 : i1 to i32
      %cond3A_110 = arith.constant 0 : i32
      %cond3A_111 = arith.cmpi ne, %convert_element_type3A_109, %cond3A_110 : i32
      scf.if %cond3A_111 {
        "tpu.region"() ({
          %run_scoped3A = tpu.sem_alloc : memref<!tpu.dma_semaphore, #tpu.memory_space<semaphore_mem>>
          tpu.enqueue_dma source(%arg18 : memref<256xf32, #tpu.memory_space<vmem_shared>>) target(%arg13 : memref<256xf32, #tpu.memory_space<vmem>>) target_semaphore(%run_scoped3A : memref<!tpu.dma_semaphore, #tpu.memory_space<semaphore_mem>>)
          tpu.wait_dma2 semaphore(%run_scoped3A : memref<!tpu.dma_semaphore, #tpu.memory_space<semaphore_mem>>) src(%arg18 : memref<256xf32, #tpu.memory_space<vmem_shared>>) dst(%arg13 : memref<256xf32, #tpu.memory_space<vmem>>)
          tpu.yield
        }) : () -> ()
        "tpu.region"() ({
          %run_scoped3A = tpu.sem_alloc : memref<!tpu.dma_semaphore, #tpu.memory_space<semaphore_mem>>
          tpu.enqueue_dma source(%arg19 : memref<256xi32, #tpu.memory_space<vmem_shared>>) target(%arg14 : memref<256xi32, #tpu.memory_space<vmem>>) target_semaphore(%run_scoped3A : memref<!tpu.dma_semaphore, #tpu.memory_space<semaphore_mem>>)
          tpu.wait_dma2 semaphore(%run_scoped3A : memref<!tpu.dma_semaphore, #tpu.memory_space<semaphore_mem>>) src(%arg19 : memref<256xi32, #tpu.memory_space<vmem_shared>>) dst(%arg14 : memref<256xi32, #tpu.memory_space<vmem>>)
          tpu.yield
        }) : () -> ()
        %broadcast_in_dim3A_116 = arith.constant -1.000000e+00 : f32
        %broadcast_in_dim3A_117 = vector.broadcast %broadcast_in_dim3A_116 : f32 to vector<16xf32>
        %broadcast_in_dim3A_118 = arith.constant 0 : i32
        %broadcast_in_dim3A_119 = vector.broadcast %broadcast_in_dim3A_118 : i32 to vector<16xi32>
        %scan3A_120 = arith.constant 0 : i32
        %scan3A_121 = arith.constant 16 : i32
        %scan3A_122 = arith.addi %scan3A_120, %scan3A_121 : i32
        %scan3A_123 = arith.constant 1 : i32
        %scan3A_124:2 = scf.for %scan3A_186 = %scan3A_120 to %scan3A_122 step %scan3A_123 iter_args(%scan3A_187 = %broadcast_in_dim3A_117, %scan3A_188 = %broadcast_in_dim3A_119) -> (vector<16xf32>, vector<16xi32>)  : i32 {
          %mul3A_189 = arith.constant 16 : i32
          %mul3A_190 = arith.muli %scan3A_186, %mul3A_189 : i32
          %get3A_191 = arith.index_cast %mul3A_190 : i32 to index
          %get3A_192 = tpu.vector_load %arg13[%get3A_191] {strides = array<i32>} : memref<256xf32, #tpu.memory_space<vmem>>, vector<16xf32>,
          %mul3A_193 = arith.constant 16 : i32
          %mul3A_194 = arith.muli %scan3A_186, %mul3A_193 : i32
          %get3A_195 = arith.index_cast %mul3A_194 : i32 to index
          %get3A_196 = tpu.vector_load %arg14[%get3A_195] {strides = array<i32>} : memref<256xi32, #tpu.memory_space<vmem>>, vector<16xi32>,
          %masked_sort3A = arith.constant dense<true> : vector<16xi1>
          %masked_sort3A_197, %masked_sort3A_198, %masked_sort3A_199 = tpu.sort %get3A_192, %get3A_196 masked %masked_sort3A {descending = true} : (vector<16xf32>, vector<16xi32>, vector<16xi1>) -> (vector<16xi1>, vector<16xf32>, vector<16xi32>)
          %gt3A = arith.cmpf ogt, %masked_sort3A_198, %scan3A_187 : vector<16xf32>
          %select_n3A_200 = arith.select %gt3A, %masked_sort3A_198, %scan3A_187 : vector<16xi1>, vector<16xf32>
          %select_n3A_201 = arith.select %gt3A, %masked_sort3A_199, %scan3A_188 : vector<16xi1>, vector<16xi32>
          %masked_sort3A_202 = arith.constant dense<true> : vector<16xi1>
          %masked_sort3A_203, %masked_sort3A_204, %masked_sort3A_205 = tpu.sort %select_n3A_200, %select_n3A_201 masked %masked_sort3A_202 : (vector<16xf32>, vector<16xi32>, vector<16xi1>) -> (vector<16xi1>, vector<16xf32>, vector<16xi32>)
          scf.yield %masked_sort3A_204, %masked_sort3A_205 : vector<16xf32>, vector<16xi32>
        }
        %scan3A_125 = arith.constant 16 : i32
        %swap3A_126 = arith.constant 0 : index
        %swap3A_127 = tpu.vector_load %arg11[%swap3A_126] {strides = array<i32>} : memref<16xf32, #tpu.memory_space<vmem>>, vector<16xf32>,
        tpu.vector_store %arg11[%swap3A_126], %scan3A_124#0 {strides = array<i32>} : memref<16xf32, #tpu.memory_space<vmem>>, vector<16xf32>,
        %swap3A_128 = arith.constant 0 : index
        %swap3A_129 = tpu.vector_load %arg12[%swap3A_128] {strides = array<i32>} : memref<16xi32, #tpu.memory_space<vmem>>, vector<16xi32>,
        tpu.vector_store %arg12[%swap3A_128], %scan3A_124#1 {strides = array<i32>} : memref<16xi32, #tpu.memory_space<vmem>>, vector<16xi32>,
        %mul3A_130 = arith.constant 4096 : i32
        %mul3A_131 = vector.broadcast %mul3A_130 : i32 to vector<16xi32>
        %mul3A_132 = arith.muli %scan3A_124#1, %mul3A_131 : vector<16xi32>
        %ge3A = arith.constant 8 : i32
        %ge3A_133 = vector.broadcast %ge3A : i32 to vector<16xi32>
        %ge3A_134 = arith.cmpi sge, %iota3A, %ge3A_133 : vector<16xi32>
        %scan3A_135 = arith.constant 0 : i32
        %scan3A_136 = arith.constant 7 : i32
        %scan3A_137 = arith.addi %scan3A_135, %scan3A_136 : i32
        %scan3A_138 = arith.constant 1 : i32
        scf.for %scan3A_186 = %scan3A_135 to %scan3A_137 step %scan3A_138  : i32 {
          %mul3A_187 = arith.constant 1 : i32
          %mul3A_188 = arith.muli %scan3A_186, %mul3A_187 : i32
          %add3A_189 = arith.constant 1 : i32
          %add3A_190 = arith.addi %add3A_189, %mul3A_188 : i32
          %add3A_191 = vector.broadcast %add3A_190 : i32 to vector<16xi32>
          %add3A_192 = arith.addi %iota3A, %add3A_191 : vector<16xi32>
          %and3A_193 = arith.constant 7 : i32
          %and3A_194 = vector.broadcast %and3A_193 : i32 to vector<16xi32>
          %and3A_195 = arith.andi %add3A_192, %and3A_194 : vector<16xi32>
          %or3A_196 = arith.constant 8 : i32
          %or3A_197 = vector.broadcast %or3A_196 : i32 to vector<16xi32>
          %or3A_198 = arith.ori %and3A_195, %or3A_197 : vector<16xi32>
          %gather3A_199 = tpu.vector_load_idx %arg11[%or3A_198] : memref<16xf32, #tpu.memory_space<vmem>>[vector<16xi32>], vector<16xf32>,
          %gather3A_200 = tpu.vector_load_idx %arg12[%or3A_198] : memref<16xi32, #tpu.memory_space<vmem>>[vector<16xi32>], vector<16xi32>,
          %sub3A = arith.constant 1 : i32
          %sub3A_201 = arith.subi %add3A_190, %sub3A : i32
          %mul3A_202 = arith.constant 16 : i32
          %mul3A_203 = arith.muli %sub3A_201, %mul3A_202 : i32
          %mul3A_204 = arith.mulf %scan3A_124#0, %gather3A_199 : vector<16xf32>
          %jit3A_205 = arith.constant -1.000000e+00 : f32
          %broadcast_in_dim3A_206 = vector.broadcast %jit3A_205 : f32 to vector<16xf32>
          %select_n3A_207 = arith.select %ge3A_134, %mul3A_204, %broadcast_in_dim3A_206 : vector<16xi1>, vector<16xf32>
          %swap3A_208 = arith.index_cast %mul3A_203 : i32 to index
          %swap3A_209 = tpu.vector_load %arg16[%swap3A_208] {strides = array<i32>} : memref<112xf32, #tpu.memory_space<vmem>>, vector<16xf32>,
          tpu.vector_store %arg16[%swap3A_208], %select_n3A_207 {strides = array<i32>} : memref<112xf32, #tpu.memory_space<vmem>>, vector<16xf32>,
          %add3A_210 = arith.addi %mul3A_132, %gather3A_200 : vector<16xi32>
          %swap3A_211 = arith.index_cast %mul3A_203 : i32 to index
          %swap3A_212 = tpu.vector_load %arg17[%swap3A_211] {strides = array<i32>} : memref<112xi32, #tpu.memory_space<vmem>>, vector<16xi32>,
          tpu.vector_store %arg17[%swap3A_211], %add3A_210 {strides = array<i32>} : memref<112xi32, #tpu.memory_space<vmem>>, vector<16xi32>,
        }
        %scan3A_139 = arith.constant 7 : i32
        %broadcast_in_dim3A_140 = arith.constant 0.000000e+00 : f32
        %broadcast_in_dim3A_141 = vector.broadcast %broadcast_in_dim3A_140 : f32 to vector<16xf32>
        %broadcast_in_dim3A_142 = arith.constant 0 : i32
        %broadcast_in_dim3A_143 = vector.broadcast %broadcast_in_dim3A_142 : i32 to vector<16xi32>
        %scan3A_144 = arith.constant 0.000000e+00 : f32
        %scan3A_145 = arith.constant 0 : i32
        %scan3A_146 = arith.constant 10 : i32
        %scan3A_147 = arith.addi %scan3A_145, %scan3A_146 : i32
        %scan3A_148 = arith.constant 1 : i32
        %scan3A_149:3 = scf.for %scan3A_186 = %scan3A_145 to %scan3A_147 step %scan3A_148 iter_args(%scan3A_187 = %broadcast_in_dim3A_141, %scan3A_188 = %broadcast_in_dim3A_143, %scan3A_189 = %scan3A_144) -> (vector<16xf32>, vector<16xi32>, f32)  : i32 {
          %broadcast_in_dim3A_190 = arith.constant -1.000000e+00 : f32
          %broadcast_in_dim3A_191 = vector.broadcast %broadcast_in_dim3A_190 : f32 to vector<16xf32>
          %scan3A_192 = arith.constant 0 : i32
          %scan3A_193 = arith.constant 7 : i32
          %scan3A_194 = arith.addi %scan3A_192, %scan3A_193 : i32
          %scan3A_195 = arith.constant 1 : i32
          %scan3A_196 = scf.for %scan3A_232 = %scan3A_192 to %scan3A_194 step %scan3A_195 iter_args(%scan3A_233 = %broadcast_in_dim3A_191) -> (vector<16xf32>)  : i32 {
            %mul3A_234 = arith.constant 16 : i32
            %mul3A_235 = arith.muli %scan3A_232, %mul3A_234 : i32
            %get3A_236 = arith.index_cast %mul3A_235 : i32 to index
            %get3A_237 = tpu.vector_load %arg16[%get3A_236] {strides = array<i32>} : memref<112xf32, #tpu.memory_space<vmem>>, vector<16xf32>,
            %max3A_238 = arith.maximumf %scan3A_233, %get3A_237 : vector<16xf32>
            scf.yield %max3A_238 : vector<16xf32>
          }
          %scan3A_197 = arith.constant 7 : i32
          %reduce_max3A = arith.constant true
          %reduce_max3A_198 = vector.broadcast %reduce_max3A : i1 to vector<16xi1>
          %reduce_max3A_199 = tpu.scan <max>, %scan3A_196 masked %reduce_max3A_198 : vector<16xf32>, vector<16xi1> -> vector<16xf32>
          %reduce_max3A_200 = vector.extract %reduce_max3A_199[15] : f32 from vector<16xf32>
          %broadcast_in_dim3A_201 = vector.broadcast %reduce_max3A_200 : f32 to vector<16xf32>
          %broadcast_in_dim3A_202 = arith.constant 1073741824 : i32
          %broadcast_in_dim3A_203 = vector.broadcast %broadcast_in_dim3A_202 : i32 to vector<16xi32>
          %scan3A_204 = arith.constant 0 : i32
          %scan3A_205 = arith.constant 7 : i32
          %scan3A_206 = arith.addi %scan3A_204, %scan3A_205 : i32
          %scan3A_207 = arith.constant 1 : i32
          %scan3A_208 = scf.for %scan3A_232 = %scan3A_204 to %scan3A_206 step %scan3A_207 iter_args(%scan3A_233 = %broadcast_in_dim3A_203) -> (vector<16xi32>)  : i32 {
            %mul3A_234 = arith.constant 16 : i32
            %mul3A_235 = arith.muli %scan3A_232, %mul3A_234 : i32
            %get3A_236 = arith.index_cast %mul3A_235 : i32 to index
            %get3A_237 = tpu.vector_load %arg16[%get3A_236] {strides = array<i32>} : memref<112xf32, #tpu.memory_space<vmem>>, vector<16xf32>,
            %eq3A_238 = arith.cmpf oeq, %get3A_237, %broadcast_in_dim3A_201 : vector<16xf32>
            %get3A_239 = arith.index_cast %mul3A_235 : i32 to index
            %get3A_240 = tpu.vector_load %arg17[%get3A_239] {strides = array<i32>} : memref<112xi32, #tpu.memory_space<vmem>>, vector<16xi32>,
            %jit3A_241 = arith.constant 1073741824 : i32
            %broadcast_in_dim3A_242 = vector.broadcast %jit3A_241 : i32 to vector<16xi32>
            %select_n3A_243 = arith.select %eq3A_238, %get3A_240, %broadcast_in_dim3A_242 : vector<16xi1>, vector<16xi32>
            %min3A = arith.minsi %scan3A_233, %select_n3A_243 : vector<16xi32>
            scf.yield %min3A : vector<16xi32>
          }
          %scan3A_209 = arith.constant 7 : i32
          %reduce_min3A = arith.constant true
          %reduce_min3A_210 = vector.broadcast %reduce_min3A : i1 to vector<16xi1>
          %reduce_min3A_211 = arith.constant -2147483648 : i32
          %reduce_min3A_212 = vector.broadcast %reduce_min3A_211 : i32 to vector<16xi32>
          %reduce_min3A_213 = arith.xori %scan3A_208, %reduce_min3A_212 : vector<16xi32>
          %reduce_min3A_214 = tpu.scan <min>, %reduce_min3A_213 masked %reduce_min3A_210 : vector<16xi32>, vector<16xi1> -> vector<16xi32>
          %reduce_min3A_215 = arith.xori %reduce_min3A_214, %reduce_min3A_212 : vector<16xi32>
          %reduce_min3A_216 = vector.extract %reduce_min3A_215[15] : i32 from vector<16xi32>
          %broadcast_in_dim3A_217 = vector.broadcast %reduce_min3A_216 : i32 to vector<16xi32>
          %scan3A_218 = arith.constant 0 : i32
          %scan3A_219 = arith.constant 7 : i32
          %scan3A_220 = arith.addi %scan3A_218, %scan3A_219 : i32
          %scan3A_221 = arith.constant 1 : i32
          scf.for %scan3A_232 = %scan3A_218 to %scan3A_220 step %scan3A_221  : i32 {
            %mul3A_233 = arith.constant 1 : i32
            %mul3A_234 = arith.muli %scan3A_232, %mul3A_233 : i32
            %add3A_235 = arith.constant 0 : i32
            %add3A_236 = arith.addi %add3A_235, %mul3A_234 : i32
            %mul3A_237 = arith.constant 16 : i32
            %mul3A_238 = arith.muli %add3A_236, %mul3A_237 : i32
            %get3A_239 = arith.index_cast %mul3A_238 : i32 to index
            %get3A_240 = tpu.vector_load %arg17[%get3A_239] {strides = array<i32>} : memref<112xi32, #tpu.memory_space<vmem>>, vector<16xi32>,
            %eq3A_241 = arith.cmpi eq, %get3A_240, %broadcast_in_dim3A_217 : vector<16xi32>
            %get3A_242 = arith.index_cast %mul3A_238 : i32 to index
            %get3A_243 = tpu.vector_load %arg16[%get3A_242] {strides = array<i32>} : memref<112xf32, #tpu.memory_space<vmem>>, vector<16xf32>,
            %jit3A_244 = arith.constant -1.000000e+00 : f32
            %broadcast_in_dim3A_245 = vector.broadcast %jit3A_244 : f32 to vector<16xf32>
            %select_n3A_246 = arith.select %eq3A_241, %broadcast_in_dim3A_245, %get3A_243 : vector<16xi1>, vector<16xf32>
            %swap3A_247 = arith.index_cast %mul3A_238 : i32 to index
            %swap3A_248 = tpu.vector_load %arg16[%swap3A_247] {strides = array<i32>} : memref<112xf32, #tpu.memory_space<vmem>>, vector<16xf32>,
            tpu.vector_store %arg16[%swap3A_247], %select_n3A_246 {strides = array<i32>} : memref<112xf32, #tpu.memory_space<vmem>>, vector<16xf32>,
          }
          %scan3A_222 = arith.constant 7 : i32
          %eq3A_223 = vector.broadcast %scan3A_186 : i32 to vector<16xi32>
          %eq3A_224 = arith.cmpi eq, %iota3A, %eq3A_223 : vector<16xi32>
          %select_n3A_225 = arith.select %eq3A_224, %broadcast_in_dim3A_201, %scan3A_187 : vector<16xi1>, vector<16xf32>
          %eq3A_226 = vector.broadcast %scan3A_186 : i32 to vector<16xi32>
          %eq3A_227 = arith.cmpi eq, %iota3A, %eq3A_226 : vector<16xi32>
          %select_n3A_228 = arith.select %eq3A_227, %broadcast_in_dim3A_217, %scan3A_188 : vector<16xi1>, vector<16xi32>
          %eq3A_229 = arith.constant 0 : i32
          %eq3A_230 = arith.cmpi eq, %scan3A_186, %eq3A_229 : i32
          %select_n3A_231 = arith.select %eq3A_230, %reduce_max3A_200, %scan3A_189 : f32
          scf.yield %select_n3A_225, %select_n3A_228, %select_n3A_231 : vector<16xf32>, vector<16xi32>, f32
        }
        %scan3A_150 = arith.constant 10 : i32
        %max3A = arith.constant 9.99999993E-9 : f32
        %max3A_151 = arith.maximumf %scan3A_149#2, %max3A : f32
        %broadcast_in_dim3A_152 = vector.broadcast %max3A_151 : f32 to vector<16xf32>
        %lt3A_153 = arith.constant 10 : i32
        %lt3A_154 = vector.broadcast %lt3A_153 : i32 to vector<16xi32>
        %lt3A_155 = arith.cmpi slt, %iota3A, %lt3A_154 : vector<16xi32>
        %lt3A_156 = arith.constant 8 : i32
        %lt3A_157 = vector.broadcast %lt3A_156 : i32 to vector<16xi32>
        %lt3A_158 = arith.cmpi slt, %iota3A, %lt3A_157 : vector<16xi32>
        %mul3A_159 = arith.constant 3 : i32
        %mul3A_160 = vector.broadcast %mul3A_159 : i32 to vector<16xi32>
        %mul3A_161 = arith.muli %iota3A, %mul3A_160 : vector<16xi32>
        %jit3A_162 = arith.constant 0 : i32
        %broadcast_in_dim3A_163 = vector.broadcast %jit3A_162 : i32 to vector<16xi32>
        %select_n3A_164 = arith.select %lt3A_155, %mul3A_161, %broadcast_in_dim3A_163 : vector<16xi1>, vector<16xi32>
        %add3A_165 = arith.constant 30 : i32
        %add3A_166 = vector.broadcast %add3A_165 : i32 to vector<16xi32>
        %add3A_167 = arith.addi %iota3A, %add3A_166 : vector<16xi32>
        %jit3A_168 = arith.constant 0 : i32
        %broadcast_in_dim3A_169 = vector.broadcast %jit3A_168 : i32 to vector<16xi32>
        %select_n3A_170 = arith.select %lt3A_158, %add3A_167, %broadcast_in_dim3A_169 : vector<16xi1>, vector<16xi32>
        %add3A_171 = arith.constant 2 : i32
        %add3A_172 = vector.broadcast %add3A_171 : i32 to vector<16xi32>
        %add3A_173 = arith.addi %select_n3A_164, %add3A_172 : vector<16xi32>
        %div3A = arith.divf %scan3A_149#0, %broadcast_in_dim3A_152 : vector<16xf32>
        tpu.vector_store_idx %arg15[%add3A_173], %div3A masked %lt3A_155 : memref<38xf32, #tpu.memory_space<vmem>>[vector<16xi32>], vector<16xf32>, vector<16xi1>
        %shift_right_arithmetic3A_174 = arith.constant 12 : i32
        %shift_right_arithmetic3A_175 = vector.broadcast %shift_right_arithmetic3A_174 : i32 to vector<16xi32>
        %shift_right_arithmetic3A_176 = arith.shrsi %scan3A_149#1, %shift_right_arithmetic3A_175 : vector<16xi32>
        %convert_element_type3A_177 = arith.sitofp %shift_right_arithmetic3A_176 : vector<16xi32> to vector<16xf32>
        tpu.vector_store_idx %arg15[%select_n3A_164], %convert_element_type3A_177 masked %lt3A_155 : memref<38xf32, #tpu.memory_space<vmem>>[vector<16xi32>], vector<16xf32>, vector<16xi1>
        %add3A_178 = arith.constant 1 : i32
        %add3A_179 = vector.broadcast %add3A_178 : i32 to vector<16xi32>
        %add3A_180 = arith.addi %select_n3A_164, %add3A_179 : vector<16xi32>
        %and3A_181 = arith.constant 4095 : i32
        %and3A_182 = vector.broadcast %and3A_181 : i32 to vector<16xi32>
        %and3A_183 = arith.andi %scan3A_149#1, %and3A_182 : vector<16xi32>
        %convert_element_type3A_184 = arith.sitofp %and3A_183 : vector<16xi32> to vector<16xf32>
        tpu.vector_store_idx %arg15[%add3A_180], %convert_element_type3A_184 masked %lt3A_155 : memref<38xf32, #tpu.memory_space<vmem>>[vector<16xi32>], vector<16xf32>, vector<16xi1>
        %get3A = arith.constant 0 : index
        %get3A_185 = tpu.vector_load %arg10[%get3A] {strides = array<i32>} : memref<16xf32, #tpu.memory_space<vmem>>, vector<16xf32>,
        tpu.vector_store_idx %arg15[%select_n3A_170], %get3A_185 masked %lt3A_158 : memref<38xf32, #tpu.memory_space<vmem>>[vector<16xi32>], vector<16xf32>, vector<16xi1>
        "tpu.region"() ({
          %run_scoped3A = tpu.sem_alloc : memref<!tpu.dma_semaphore, #tpu.memory_space<semaphore_mem>>
          %dma_start3A_186 = arith.constant 12288 : i32
          %dma_start3A_187 = tpu.memref_slice %arg5[%dma_start3A_186] : memref<12326xf32, #tpu.memory_space<hbm>> -> memref<38xf32, #tpu.memory_space<hbm>>
          %dma_start3A_188 = arith.constant 12288 : i32
          %dma_start3A_189 = tpu.memref_slice %arg5[%dma_start3A_188] : memref<12326xf32, #tpu.memory_space<hbm>> -> memref<38xf32, #tpu.memory_space<hbm>>
          tpu.enqueue_dma source(%arg15 : memref<38xf32, #tpu.memory_space<vmem>>) target(%dma_start3A_189 : memref<38xf32, #tpu.memory_space<hbm>>) target_semaphore(%run_scoped3A : memref<!tpu.dma_semaphore, #tpu.memory_space<semaphore_mem>>)
          %dma_wait3A_190 = arith.constant 12288 : i32
          %dma_wait3A_191 = tpu.memref_slice %arg5[%dma_wait3A_190] : memref<12326xf32, #tpu.memory_space<hbm>> -> memref<38xf32, #tpu.memory_space<hbm>>
          %dma_wait3A_192 = arith.constant 12288 : i32
          %dma_wait3A_193 = tpu.memref_slice %arg5[%dma_wait3A_192] : memref<12326xf32, #tpu.memory_space<hbm>> -> memref<38xf32, #tpu.memory_space<hbm>>
          tpu.wait_dma2 semaphore(%run_scoped3A : memref<!tpu.dma_semaphore, #tpu.memory_space<semaphore_mem>>) src(%arg15 : memref<38xf32, #tpu.memory_space<vmem>>) dst(%dma_wait3A_193 : memref<38xf32, #tpu.memory_space<hbm>>)
          tpu.yield
        }) : () -> ()
      } else {
      }
      %dma_wait3A_112 = tpu.memref_slice %arg5[%add3A_100] : memref<12326xf32, #tpu.memory_space<hbm>> -> memref<256xf32, #tpu.memory_space<hbm>>
      %dma_wait3A_113 = tpu.memref_slice %arg5[%add3A_100] : memref<12326xf32, #tpu.memory_space<hbm>> -> memref<256xf32, #tpu.memory_space<hbm>>
      tpu.wait_dma2 semaphore(%arg23 : memref<!tpu.dma_semaphore, #tpu.memory_space<semaphore_mem>>) src(%arg9 : memref<256xf32, #tpu.memory_space<vmem>>) dst(%dma_wait3A_113 : memref<256xf32, #tpu.memory_space<hbm>>)
      %dma_wait3A_114 = tpu.memref_slice %arg5[%add3A_104] : memref<12326xf32, #tpu.memory_space<hbm>> -> memref<256xf32, #tpu.memory_space<hbm>>
      %dma_wait3A_115 = tpu.memref_slice %arg5[%add3A_104] : memref<12326xf32, #tpu.memory_space<hbm>> -> memref<256xf32, #tpu.memory_space<hbm>>
      tpu.wait_dma2 semaphore(%arg23 : memref<!tpu.dma_semaphore, #tpu.memory_space<semaphore_mem>>) src(%arg6 : memref<256xf32, #tpu.memory_space<vmem>>) dst(%dma_wait3A_115 : memref<256xf32, #tpu.memory_space<hbm>>)
    } else {
    }
    return
  }
}

</mosaic_0001>

<sc_bundles>
// kernel: kernel.3.cloned.1.call-start
scs
__scs_entry_jumppad:
0x0: {  	(pc) =	sbr.rel $0x88, $3  }
0x1: {  	(tag) =	ssettag $0x0;
	lr =	simm.s32 $0x1  }
0x2: {  	[smem:$0x3F9E] =	sst lr;
	_ =	strace $0xD0000000  }
0x3: {  	_ = 	snop  }
0x4: {  	_ = 	snop  }
0x5: {  	_ = 	snop  }
0x6: {  	_ = 	snop  }
0x7: {  	_ = 	snop  }
__scs_overlays_trampoline_lowered:
0x8: {  	[smem:$0x3FAD] =	sst s0  }
0x9: {  	[smem:$0x3FAE] =	sst s1  }
0xa: {  	[smem:$0x3FAF] =	sst s2  }
0xb: {  	[smem:$0x3FB0] =	sst s3  }
0xc: {  	[smem:$0x3FB1] =	sst s4  }
0xd: {  	[smem:$0x3FB2] =	sst s5  }
0xe: {  	[smem:$0x3FB3] =	sst s6  }
0xf: {  	[smem:$0x3FB4] =	sst s7  }
0x10: {  	[smem:$0x3FB5] =	sst s8  }
0x11: {  	[smem:$0x3FB6] =	sst s9;
	s0 =	simm.s32 @!p0 $0x0  }
0x12: {  	s1 =	sld [smem:$0x3F9C];
	s0 =	simm.s32 @p0 $0x1  }
0x13: {  	[smem:$0x3FB7] =	sst s0;
	s0 =	simm.s32 @!p1 $0x0  }
0x14: {  	s2 =	sld [smem:$0x3F9B];
	s0 =	simm.s32 @p1 $0x1  }
0x15: {  	[smem:$0x3FB8] =	sst s0;
	s0 =	simm.s32 @!p2 $0x0  }
0x16: {  	s3 =	sld [smem:$0x3FDB];
	s0 =	simm.s32 @p2 $0x1  }
0x17: {  	s4 =	simm.s32 $0x1BF5;
	[smem:$0x3FBA] =	sst s0  }
0x18: {  	s0 =	sld [smem:$0x3F9D];
	_ =	swait.ge [sflag:s4], $0x0  }
0x19: {  	s7 =	sld [smem:$0x3F9E]  }
0x1a: {  	s8 =	sadd.s32 $0xFFFFE003, lr  }
0x1b: {  	s9 =	sadd.s32 $0xFFFFFEF7, lr;
	s5 =	simm.s32 $0xFFFFFFFF;
	p2 =	slt.u32 s8, $0xFFFFF086  }
0x1c: {  	p1 =	slt.u32 s9, $0xF7A;
	s5 =	simm.s32 @!p2 $0x0  }
0x1d: {  	s5 =	simm.s32 @p1 $0x1;
	p0 =	seq.s32 s7, s2  }
0x1e: {  	s7 =	smul.u32 @!p0 $0xF7A, s2;
	p2 =	seq.s32 @!p0 s5, $0x0  }
0x1f: {  	s9 =	smul.u32 $0xF7A, s1;
	s8 =	simm.s32 @!p0 $0x1BF5;
	p2 =	por !p2, p0  }
0x20: {  	[sflag:s8] =	ssyncset.s32 @!p0 $0xFFFFF086;
	s6 =	sadd.s32 @!p0 s3, s7;
	s7 =	simm.s32 @!p0 $0x108  }
0x21: {  	s3 =	sadd.s32 s3, s9;
	s6 =	sadd.s32 @!p0 $0x88, s6;
	s7 =	simm.s32 @p2 $0x1082  }
0x22: {  	[simem:s7], [sflag:s8] =	dma.local @!p0 [hbm:s6], $0xF7A  }
0x23: {  	s9 =	sor.u32 $0xD0000000, s2;
	s6 =	simm.s32 $0x108;
	_ =	swait.ge @!p0 [sflag:s8], $0x0  }
0x24: {  	s3 =	sadd.s32 $0x88, s3;
	s6 =	simm.s32 @!p1 $0x1082;
	[sflag:s4] =	ssyncset.s32 $0xFFFFF086  }
0x25: {  	[simem:s6], [sflag:s4] =	dma.local [hbm:s3], $0xF7A  }
0x26: {  	[smem:$0x3F9E] =	sst s1;
	(tag) =	ssettag s2;
	_ =	strace s9  }
0x27: {  	s1 =	sld [smem:$0x3FAE]  }
0x28: {  	s2 =	sld [smem:$0x3FAF]  }
0x29: {  	s4 =	sld [smem:$0x3FB1]  }
0x2a: {  	p0 =	seq.s32 s5, $0x0;
	s5 =	sld [smem:$0x3FB2]  }
0x2b: {  	s6 =	sld [smem:$0x3FB3]  }
0x2c: {  	s7 =	sld [smem:$0x3FB4]  }
0x2d: {  	s3 =	simm.s32 $0x108;
	s8 =	sld [smem:$0x3FB5]  }
0x2e: {  	s3 =	simm.s32 @!p0 $0x1082;
	s9 =	sld [smem:$0x3FB6]  }
0x2f: {  	lr =	sadd.s32 s0, s3;
	s0 =	sld [smem:$0x3FAD]  }
0x30: {  	s3 =	sld [smem:$0x3FB0]  }
0x31: {  	[smem:$0x3FB9] =	sst s10  }
0x32: {  	s10 =	sld [smem:$0x3FB7];
	_ =	sdelay $0x3  }
0x33: {  	p0 =	seq.s32 s10, $0x1;
	s10 =	sld [smem:$0x3FB9];
	_ =	sdelay $0x3  }
0x34: {  	[smem:$0x3FB9] =	sst s10  }
0x35: {  	s10 =	sld [smem:$0x3FB8];
	_ =	sdelay $0x3  }
0x36: {  	p1 =	seq.s32 s10, $0x1;
	s10 =	sld [smem:$0x3FB9];
	_ =	sdelay $0x3  }
0x37: {  	[smem:$0x3FB9] =	sst s10  }
0x38: {  	s10 =	sld [smem:$0x3FBA]  }
0x39: {  	_ = 	snop;
	(pc) =	sbr.ind lr, $3  }
0x3a: {  	_ = 	snop  }
0x3b: {  	_ = 	snop  }
0x3c: {  	p2 =	seq.s32 s10, $0x1;
	s10 =	sld [smem:$0x3FB9]  }
0x3d: {  	_ =	shalt  }
0x3e: {  	_ =	shalt  }
0x3f: {  	_ =	shalt  }
0x40: {  	_ =	shalt  }
0x41: {  	_ =	shalt  }
0x42: {  	_ =	shalt  }
0x43: {  	_ =	shalt  }
0x44: {  	_ =	shalt  }
0x45: {  	_ =	shalt  }
0x46: {  	_ =	shalt  }
0x47: {  	_ =	shalt  }
0x48: {  	_ =	shalt  }
0x49: {  	_ =	shalt  }
0x4a: {  	_ =	shalt  }
0x4b: {  	_ =	shalt  }
0x4c: {  	_ =	shalt  }
0x4d: {  	_ =	shalt  }
0x4e: {  	_ =	shalt  }
0x4f: {  	_ =	shalt  }
0x50: {  	_ =	shalt  }
0x51: {  	_ =	shalt  }
0x52: {  	_ =	shalt  }
0x53: {  	_ =	shalt  }
0x54: {  	_ =	shalt  }
0x55: {  	_ =	shalt  }
0x56: {  	_ =	shalt  }
0x57: {  	_ =	shalt  }
0x58: {  	_ =	shalt  }
0x59: {  	_ =	shalt  }
0x5a: {  	_ =	shalt  }
0x5b: {  	_ =	shalt  }
0x5c: {  	_ =	shalt  }
0x5d: {  	_ =	shalt  }
0x5e: {  	_ =	shalt  }
0x5f: {  	_ =	shalt  }
0x60: {  	_ =	shalt  }
0x61: {  	_ =	shalt  }
0x62: {  	_ =	shalt  }
0x63: {  	_ =	shalt  }
0x64: {  	_ =	shalt  }
0x65: {  	_ =	shalt  }
0x66: {  	_ =	shalt  }
0x67: {  	_ =	shalt  }
0x68: {  	_ =	shalt  }
0x69: {  	_ =	shalt  }
0x6a: {  	_ =	shalt  }
0x6b: {  	_ =	shalt  }
0x6c: {  	_ =	shalt  }
0x6d: {  	_ =	shalt  }
0x6e: {  	_ =	shalt  }
0x6f: {  	_ =	shalt  }
0x70: {  	_ =	shalt  }
0x71: {  	_ =	shalt  }
0x72: {  	_ =	shalt  }
0x73: {  	_ =	shalt  }
0x74: {  	_ =	shalt  }
0x75: {  	_ =	shalt  }
0x76: {  	_ =	shalt  }
0x77: {  	_ =	shalt  }
0x78: {  	_ =	shalt  }
0x79: {  	_ =	shalt  }
0x7a: {  	_ =	shalt  }
0x7b: {  	_ =	shalt  }
0x7c: {  	_ =	shalt  }
0x7d: {  	_ =	shalt  }
0x7e: {  	_ =	shalt  }
0x7f: {  	_ =	shalt  }
0x80: {  	_ =	shalt  }
0x81: {  	_ =	shalt  }
0x82: {  	_ =	shalt  }
0x83: {  	_ =	shalt  }
0x84: {  	_ =	shalt  }
0x85: {  	_ =	shalt  }
0x86: {  	_ =	shalt  }
0x87: {  	_ =	shalt  }
.Lfunc_end0:
.L_simem_size_0:
called_computation_lowered:
.L_overlay_start_0:
0x88: {  	s2 =	sld [smem:$0x3FD9]  }
0x89: {  	s3 =	sld [smem:$0x3FFE];
	_ =	sdelay $0x1  }
0x8a: {  	s1 =	srdreg.scid  }
0x8b: {  	s0 =	sand.u32 $0x1, s1  }
0x8c: {  	s17 =	sshll.u32 s0, $0xA;
	s2 =	sadd.s32 s3, s2  }
0x8d: {  	s2 =	sadd.s32 s2, s17  }
0x8e: {  	[smem:$0x3FC5] =	sst s2  }
0x8f: {  	_ = 	snop  }
0x90: {  	s2 =	sld [smem:$0x3FC9]  }
0x91: {  	s18 =	sld [smem:$0x3FC7]  }
0x92: {  	s4 =	sld [smem:$0x3FD0];
	(tm) =	ssettm $0x1  }
0x93: {  	s5 =	sld [smem:$0x3FFB];
	_ =	sdelay $0x3  }
0x94: {  	_ =	strace s5  }
0x95: {  	s5 =	sld [smem:$0x3FFC];
	_ =	sdelay $0x3  }
0x96: {  	_ =	strace s5  }
0x97: {  	s5 =	sld [smem:$0x3FFD];
	_ =	sdelay $0x3  }
0x98: {  	_ =	strace s5  }
0x99: {  	_ =	strace $0x8FFFFFFF  }
0x9a: {  	s19 =	sld [smem:$0x3FDB];
	_ =	sdelay $0x1  }
0x9b: {  	s6 =	simm.s32 $_scs_section_size  }
0x9c: {  	s7 =	simm.s32 $_size__tile_overlayer_lowered;
	s8 =	simm.s32 $_tile_overlayer_lowered  }
0x9d: {  	s22 =	simm.s32 $0x1BFF;
	s21 =	sshll.u32 s8, $0x1;
	s5 =	sadd.s32 s6, s19  }
0x9e: {  	s9 =	simm.s32 $0x0;
	s20 =	sshll.u32 s7, $0x1;
	s7 =	sadd.s32 s21, s5  }
0x9f: {  	[timem:s9], [sflag:s22] =	dma.local [hbm:s7], s20  }
0xa0: {  	_ =	swait.ge [sflag:s22], s20  }
0xa1: {  	s6 =	ssub.s32 $0x0, s20;
	[sflag:s22] =	ssyncset.done $0x0  }
0xa2: {  	[sflag:s22] =	ssyncadd.s32 s6;
	_ =	sdelay $0x1  }
0xa3: {  	s23 =	simm.s32 $0x1B8B  }
0xa4: {  	_ =	swait.ge [sflag:s23], $0x1  }
0xa5: {  	[sflag:s23] =	ssyncset.done $0x0  }
0xa6: {  	s25 =	simm.s32 $0x1B8E;
	s24 =	sld [smem:$0x3FFE];
	[sflag:s23] =	ssyncadd.s32 $0xFFFFFFFF  }
0xa7: {  	s26 =	simm.s32 $execute0_lowered;
	[smem:$0x3FD2] =	sst s25  }
0xa8: {  	s7 =	sshll.u32 s26, $0x1;
	_ =	strace $0x80000046;
	[dreg:$0x1] =	wrdreg $0xFFFFFFFF  }
0xa9: {  	s28 =	simm.s32 $_size_execute0_lowered;
	s5 =	sadd.s32 s5, s7;
	[dreg:$0x0] =	wrdreg $0x0  }
0xaa: {  	s7 =	sshll.u32 s28, $0x1;
	[dreg:$0x2] =	wrdreg s5  }
0xab: {  	[dreg:$0x3] =	wrdreg s7  }
0xac: {  	[dreg:$0x4] =	wrdreg $0xC0  }
0xad: {  	_ =	task [dreg:s9], $0x5FFFF  }
0xae: {  	[dreg:$0x1] =	wrdreg $0xFFFFFFFF  }
0xaf: {  	[dreg:$0x0] =	wrdreg $0x60  }
0xb0: {  	[dreg:$0x2] =	wrdreg s2  }
0xb1: {  	[dreg:$0x3] =	wrdreg s18  }
0xb2: {  	[dreg:$0x4] =	wrdreg s24  }
0xb3: {  	[dreg:$0x5] =	wrdreg s4  }
0xb4: {  	[dreg:$0x6] =	wrdreg $0x10200  }
0xb5: {  	[dreg:$0x7] =	wrdreg $0x10000  }
0xb6: {  	[dreg:$0x8] =	wrdreg $0x10100  }
0xb7: {  	[dreg:$0x9] =	wrdreg $0x9  }
0xb8: {  	_ =	task.clear_ibuf [dreg:s9], $0xAFFFF;
	_ =	strace $0x90000046  }
0xb9: {  	s29 =	simm.s32 $0x9;
	_ =	strace $0x80000048  }
0xba: {  	_ =	swait.ge [sflag:s29], $0x1  }
0xbb: {  	[sflag:s29] =	ssyncadd.s32 $0xFFFFFFFF  }
0xbc: {  	_ =	strace $0x90000048  }
0xbd: {  	_ =	sfence  }
0xbe: {  	s30 =	sld [smem:$0x0];
	_ =	sdelay $0x2  }
0xbf: {  	s31 =	sshll.u32 s1, $0xD;
	s1 =	sshrl.u32 s1, $0x2  }
0xc0: {  	s3 =	sand.u32 $0x4000, s31;
	s1 =	sadd.s32 s1, s30  }
0xc1: {  	s0 =	sor.u32 s3, s0;
	s1 =	sshll.u32 s1, $0x11  }
0xc2: {  	s0 =	sor.u32 s1, s0  }
0xc3: {  	s0 =	sadd.s32 $0x8F2B, s0  }
0xc4: {  	[sflag:s0] =	ssyncadd.remote.s32 $0x1  }
0xc5: {  	_ =	sfence.sel $0xFFFF  }
0xc6: {  	[dreg:$0x0] =	wrdreg $0xFFFFFFFF;
	(pc) =	sbr.abs _section_cstart, $3  }
0xc7: {  	[dreg:$0x1] =	wrdreg $0xFFFFFFFF  }
0xc8: {  	_ =	task.clear_ibuf [dreg:s9], $0x2FFFF;
	_ =	strace $0x9FFFFFFF  }
0xc9: {  	(tm) =	ssettm $0x7FFFFFFF  }
tec
execute0_lowered:
.L_overlay_start_1:
0x0: {  	(tag) =	ssettag $0x1  }
0x1: {  	s6 =	rddreg [dreg:$0x0]  }
0x2: {  	s5 =	rddreg [dreg:$0x1];
	s1 =	srdreg.scid  }
0x3: {  	s9 =	rddreg [dreg:$0x2];
	s1 =	sand.u32 $0x1, s1  }
0x4: {  	s2 =	rddreg [dreg:$0x3];
	p0 =	seq.s32 s1, $0x1  }
.Ltmp0:
0x5: {  	s7 =	rddreg [dreg:$0x4];
	(pc) =	sbr.rel @p0 .LBB2_16-.Ltmp0, $4  }
0x6: {  	s4 =	rddreg [dreg:$0x5]  }
0x7: {  	s3 =	rddreg [dreg:$0x6];
	s8 =	simm.s32 $0x0  }
0x8: {  	[smem:$0x7FF] =	sst s8  }
0x9: {  	s0 =	rddreg [dreg:$0x7];
	_ =	strace $0x80000047;
	s1 =	stileid.u32  }
0xa: {  	s9 =	sadd.s32 $0x400, s9;
	s10 =	sshll.u32 s1, $0x8  }
0xb: {  	s12 =	sshll.u32 s1, $0x5;
	s11 =	simm.s32 $0x200;
	s9 =	sadd.s32 s9, s10  }
0xc: {  	[tilespmem:s11], [sflag:$0x2] =	stream.linear.gather [hbm4b:s9+s8], $0x800, $0x38;
	[tilespmem:$0x1030] =	vst v63  }
0xd: {  	s6 =	sadd.s32 s6, s12  }
0xe: {  	[tilespmem:s8], [sflag:$0x1] =	stream.linear.gather [hbm4b:s6+s8], $0x100, $0x38;
	[tilespmem:$0x1030] =	vst v63  }
0xf: {  	s26 =	simm.s32 $0x100;
	s28 =	simm.s32 $0x1;
	s5 =	sadd.s32 s5, s12  }
0x10: {  	[tilespmem:s26], [sflag:$0x1] =	stream.linear.gather [hbm4b:s5+s8], $0x100, $0x38;
	[tilespmem:$0x1030] =	vst v63  }
0x11: {  	_ =	swait.ge [sflag:s28], $0x100  }
0x12: {  	[sflag:s28] =	ssyncset.done $0x0  }
0x13: {  	[sflag:s28] =	ssyncadd.s32 $0xFFFFFF00  }
0x14: {  	_ =	swait.ge [sflag:s28], $0x100  }
0x15: {  	[sflag:s28] =	ssyncset.done $0x0  }
0x16: {  	s29 =	simm.s32 $0x0;
	[sflag:s28] =	ssyncadd.s32 $0xFFFFFF00  }
0x17: {  	v0 =	vld [tilespmem:s29+$0x0]  }
0x18: {  	v1 =	vld [tilespmem:s29+$0x100];
	_ =	sdelay $0x4  }
0x19: {  	v1 =	vsub.f32 v0, v1  }
0x1a: {  	v0 =	vlaneseq.u32  }
0x1b: {  	v3 =	vor.u32 s10, v0;
	v2 =	vand.u32 $0x7FFFFFFF, v1  }
0x1c: {  	(xrf1) =	vsort.dscd.msk.f32 $0xffff, v2, v3;
	_ =	sdelay $0x5  }
0x1d: {  	s30 =	simm.s32 $0x10;
	[tilespmem:s29+$0xA00] =	vst v1  }
0x1e: {  	v1 =	vld [tilespmem:s30+$0x0]  }
0x1f: {  	v2 =	vld [tilespmem:s30+$0x100];
	_ =	sdelay $0x4  }
0x20: {  	s11 =	sadd.s32 $0x10, s10;
	v1 =	vsub.f32 v1, v2  }
0x21: {  	v6 =	vor.u32 s11, v0;
	v2 =	vimm.f32 $-1.000000000e+00;
	v4, v5, _ =	vpop (xrf1)  }
0x22: {  	v3 =	vimm.s32 $0x0;
	[tilespmem:s30+$0xA00] =	vst v1;
	v1 =	vand.u32 $0x7FFFFFFF, v1;
	vm0 =	vgt.f32 v4, v2  }
0x23: {  	(xrf1) =	vsort.dscd.msk.f32 $0xffff, v1, v6;
	v2 =	vsel vm0, v4, v2;
	v3 =	vsel vm0, v5, v3  }
0x24: {  	(xrf1) =	vsort.ascd.msk.f32 $0xffff, v2, v3;
	_ =	sdelay $0x4  }
0x25: {  	s31 =	sshll.u32 s1, $0x4  }
0x26: {  	s13 =	simm.s32 $0x20;
	s14 =	simm.s32 $0xC0;
	s12 =	sadd.s32 s2, s12  }
0x27: {  	s2 =	sadd.s32 $0x600, s2;
	s9 =	sadd.s32 s31, s7;
	s6 =	sadd.s32 $0x400, s12;
	v1 =	vld [tilespmem:s13+$0x0]  }
0x28: {  	s8 =	sadd.s32 s31, s3;
	s5 =	sadd.s32 $0x200, s12;
	s10 =	sadd.s32 s31, s4;
	v2 =	vld [tilespmem:s13+$0x100]  }
.LBB2_2:
0x29: {  	p0 =	sne.s32 s14, $0x3C0;
	_ =	sdelay $0x3  }
0x2a: {  	v1 =	vsub.f32 v1, v2;
	v2, v3, _ =	vpop (xrf1)  }
0x2b: {  	s11 =	sadd.s32 $0x10, s11;
	v4, v5, _ =	vpop (xrf1)  }
0x2c: {  	v6 =	vor.u32 s11, v0;
	[tilespmem:s13+$0xA00] =	vst v1;
	v1 =	vand.u32 $0x7FFFFFFF, v1;
	vm0 =	vgt.f32 v2, v4  }
0x2d: {  	(xrf1) =	vsort.dscd.msk.f32 $0xffff, v1, v6;
	v1 =	vsel vm0, v2, v4;
	v2 =	vsel vm0, v3, v5  }
0x2e: {  	(xrf1) =	vsort.ascd.msk.f32 $0xffff, v1, v2;
	_ =	sdelay $0x3  }
.Ltmp1:
0x2f: {  	(pc) =	sbr.rel @p0 .LBB2_2-.Ltmp1, $4  }
0x30: {  	_ = 	snop  }
0x31: {  	s13 =	sshra.s32 s14, $0x2  }
0x32: {  	v1 =	vld [tilespmem:s13+$0x0]  }
0x33: {  	s14 =	sadd.s32 $0x40, s14;
	v2 =	vld [tilespmem:s13+$0x100]  }
0x34: {  	_ =	sdelay $0x3  }
0x35: {  	v1 =	vsub.f32 v1, v2;
	v2, v3, _ =	vpop (xrf1)  }
0x36: {  	s11 =	sadd.s32 $0x10, s11;
	v4, v5, _ =	vpop (xrf1)  }
0x37: {  	v0 =	vor.u32 s11, v0;
	v6 =	vand.u32 $0x7FFFFFFF, v1;
	vm0 =	vgt.f32 v2, v4  }
0x38: {  	(xrf1) =	vsort.dscd.msk.f32 $0xffff, v6, v0;
	v0 =	vsel vm0, v2, v4;
	v2 =	vsel vm0, v3, v5  }
0x39: {  	(xrf1) =	vsort.ascd.msk.f32 $0xffff, v0, v2;
	_ =	sdelay $0xc  }
0x3a: {  	v0, v2, _ =	vpop (xrf1)  }
0x3b: {  	v3, v4, _ =	vpop (xrf1)  }
0x3c: {  	vm15 =	vgt.f32 v0, v3  }
0x3d: {  	v0 =	vsel vm15, v0, v3;
	v2 =	vsel vm15, v2, v4  }
0x3e: {  	(xrf1) =	vsort.ascd.msk.f32 $0xffff, v0, v2;
	_ =	sdelay $0xc  }
0x3f: {  	s22 =	simm.s32 $0x0;
	s11 =	simm.s32 $0xA00;
	[tilespmem:s13+$0xA00] =	vst v1  }
0x40: {  	[hbm4b:s12+s22] =	stream.linear.scatter [tilespmem:s11], [sflag:$0x3], $0x100, $0x38;
	v0 =	vlaneseq.u32;
	v1, v2, _ =	vpop (xrf1);
	[tilespmem:$0x1030] =	vst v63  }
0x41: {  	v0 =	vshrl.u32 v0, $0x3;
	[tilespmem:$0xB80] =	vst v1  }
0x42: {  	s23 =	simm.s32 $0x2;
	v1 =	vor.u32 s22, v0;
	[tilespmem:$0xC00] =	vst v2  }
0x43: {  	_ =	swait.ge [sflag:s23], $0x800  }
0x44: {  	s24 =	simm.s32 $0x2;
	[sflag:s23] =	ssyncset.done $0x0  }
0x45: {  	s25 =	simm.s32 $0x4;
	s26 =	simm.s32 $0x220;
	v2 =	vor.u32 s24, v0;
	[sflag:s23] =	ssyncadd.s32 $0xFFFFF800  }
0x46: {  	v3 =	vor.u32 s25, v0;
	v5 =	vld [tilespmem:s26+$0xFFFFFFE0]  }
0x47: {  	s28 =	simm.s32 $0x6;
	v4 =	vld.idx.msk [tilespmem:v1+s11+$0x0], $0xffff  }
0x48: {  	v1 =	vor.u32 s28, v0  }
0x49: {  	s29 =	simm.s32 $0x8;
	v7 =	vld [tilespmem:s26+$0xFFFFFFF0]  }
0x4a: {  	v6 =	vld.idx.msk [tilespmem:v2+s11+$0x0], $0xffff;
	v2 =	vor.u32 s29, v0  }
0x4b: {  	s30 =	simm.s32 $0xA;
	v8 =	vld.idx.msk [tilespmem:v3+s11+$0x0], $0xffff  }
0x4c: {  	v3 =	vor.u32 s30, v0;
	v11 =	vld [tilespmem:s26+$0x0];
	v5 =	vmul.f32 v4, v5  }
0x4d: {  	v9 =	vimm.f32 $0.0e+00;
	s31 =	simm.s32 $0xC;
	v1 =	vld.idx.msk [tilespmem:v1+s11+$0x0], $0xffff  }
0x4e: {  	v4 =	vld [tilespmem:s26+$0x10];
	v10 =	vadd.f32 v5, v9;
	v9 =	vor.u32 s31, v0  }
0x4f: {  	s14 =	simm.s32 $0xE;
	s12 =	simm.s32 $0x260;
	v2 =	vld.idx.msk [tilespmem:v2+s11+$0x0], $0xffff;
	v6 =	vmul.f32 v6, v7  }
0x50: {  	v7 =	vor.u32 s14, v0;
	v5 =	vld [tilespmem:s12+$0xFFFFFFE0]  }
0x51: {  	s13 =	simm.s32 $0x10;
	v3 =	vld.idx.msk [tilespmem:v3+s11+$0x0], $0xffff;
	v11 =	vmul.f32 v8, v11;
	v10 =	vadd.f32 v6, v10  }
0x52: {  	v8 =	vor.u32 s13, v0;
	s14 =	simm.s32 $0x18;
	v6 =	vld [tilespmem:s12+$0xFFFFFFF0]  }
.LBB2_4:
0x53: {  	p0 =	sne.s32 s14, $0xF8;
	s15 =	sadd.s32 $0x2, s13;
	v12 =	vld.idx.msk [tilespmem:v9+s11+$0x0], $0xffff;
	v9 =	vadd.f32 v11, v10;
	v4 =	vmul.f32 v1, v4  }
0x54: {  	v10 =	vor.u32 s15, v0;
	v11 =	vld [tilespmem:s12+$0x0]  }
0x55: {  	s15 =	sadd.s32 $0x4, s13;
	v5 =	vmul.f32 v2, v5;
	v1 =	vld.idx.msk [tilespmem:v7+s11+$0x0], $0xffff;
	v7 =	vadd.f32 v4, v9  }
.Ltmp2:
0x56: {  	v9 =	vor.u32 s15, v0;
	v4 =	vld [tilespmem:s12+$0x10];
	(pc) =	sbr.rel @p0 .LBB2_4-.Ltmp2, $4  }
0x57: {  	s15 =	sadd.s32 $0x6, s13;
	s13 =	smov.u32 s14;
	s12 =	sadd.s32 $0x40, s12;
	v2 =	vld.idx.msk [tilespmem:v8+s11+$0x0], $0xffff;
	v8 =	vadd.f32 v5, v7;
	v6 =	vmul.f32 v3, v6  }
0x58: {  	v7 =	vor.u32 s15, v0;
	v5 =	vld [tilespmem:s12+$0xFFFFFFE0]  }
0x59: {  	v3 =	vld.idx.msk [tilespmem:v10+s11+$0x0], $0xffff;
	v10 =	vadd.f32 v6, v8;
	v11 =	vmul.f32 v12, v11  }
0x5a: {  	s14 =	sadd.s32 $0x8, s14;
	v8 =	vor.u32 s13, v0;
	v6 =	vld [tilespmem:s12+$0xFFFFFFF0]  }
0x5b: {  	_ =	sdelay $0x3  }
0x5c: {  	v9 =	vld.idx.msk [tilespmem:v9+s11+$0x0], $0xffff;
	v10 =	vadd.f32 v11, v10;
	v1 =	vmul.f32 v1, v4  }
0x5d: {  	s14 =	sadd.s32 $0x2, s13;
	v11 =	vld [tilespmem:s12+$0x0]  }
0x5e: {  	s20 =	sadd.s32 $0x4, s13;
	v4 =	vor.u32 s14, v0;
	v2 =	vmul.f32 v2, v5;
	v5 =	vld.idx.msk [tilespmem:v7+s11+$0x0], $0xffff;
	v1 =	vadd.f32 v1, v10  }
0x5f: {  	v7 =	vor.u32 s20, v0;
	v10 =	vld [tilespmem:s12+$0x10]  }
0x60: {  	v8 =	vld.idx.msk [tilespmem:v8+s11+$0x0], $0xffff;
	s21 =	sadd.s32 $0x6, s13;
	s22 =	sadd.s32 $0x40, s12;
	v1 =	vadd.f32 v2, v1;
	v2 =	vmul.f32 v3, v6  }
0x61: {  	v0 =	vor.u32 s21, v0;
	v3 =	vld [tilespmem:s22+$0xFFFFFFE0]  }
0x62: {  	v6 =	vld [tilespmem:s22+$0xFFFFFFF0];
	v1 =	vadd.f32 v2, v1;
	v2 =	vmul.f32 v9, v11  }
0x63: {  	v4 =	vld.idx.msk [tilespmem:v4+s11+$0x0], $0xffff  }
0x64: {  	v7 =	vld.idx.msk [tilespmem:v7+s11+$0x0], $0xffff;
	v1 =	vadd.f32 v2, v1;
	v2 =	vmul.f32 v5, v10  }
0x65: {  	v5 =	vld [tilespmem:s22+$0x0]  }
0x66: {  	v0 =	vld.idx.msk [tilespmem:v0+s11+$0x0], $0xffff;
	v3 =	vmul.f32 v8, v3;
	v1 =	vadd.f32 v2, v1  }
0x67: {  	v2 =	vld [tilespmem:s22+$0x10]  }
0x68: {  	v1 =	vadd.f32 v3, v1;
	v3 =	vmul.f32 v4, v6;
	_ =	sdelay $0x1  }
0x69: {  	v1 =	vadd.f32 v3, v1;
	v3 =	vmul.f32 v7, v5  }
0x6a: {  	v4 =	vlaneseq.u32  }
0x6b: {  	v0 =	vmul.f32 v0, v2;
	v2 =	vor.u32 $0x8, v4;
	v1 =	vadd.f32 v3, v1;
	_ =	sdelay $0x1  }
0x6c: {  	v0 =	vadd.f32 v0, v1;
	_ =	sdelay $0x1  }
0x6d: {  	s23 =	simm.s32 $0xB00;
	[tilespmem:$0xB00] =	vst v0  }
0x6e: {  	v1 =	vld.idx.msk [tilespmem:v2+s23+$0x0], $0xffff;
	_ =	sdelay $0x4  }
0x6f: {  	v0 =	vadd.f32 v1, v0  }
0x70: {  	vm0 =	vmmov $0xff  }
0x71: {  	v0 =	vnsel vm0, $0x0, v0  }
0x72: {  	s24 =	simm.s32 $0x3;
	[tilespmem:$0xB00] =	vst v0  }
0x73: {  	_ =	swait.ge [sflag:s24], $0x100  }
0x74: {  	[sflag:s24] =	ssyncset.done $0x0  }
0x75: {  	s25 =	simm.s32 $0x4;
	[sflag:s24] =	ssyncadd.s32 $0xFFFFFF00  }
0x76: {  	[spmem:s9] =	stream.linear.scatter [tilespmem:s23], [sflag:$0x4], $0x10, $0x38;
	[tilespmem:$0x1030] =	vst v63  }
0x77: {  	_ =	swait.ge [sflag:s25], $0x10  }
0x78: {  	[sflag:s25] =	ssyncset.done $0x0  }
0x79: {  	s26 =	simm.s32 $0xB80;
	[sflag:s25] =	ssyncadd.s32 $0xFFFFFFF0  }
0x7a: {  	[spmem:s10] =	stream.linear.scatter [tilespmem:s26], [sflag:$0x4], $0x10, $0x38;
	[tilespmem:$0x1030] =	vst v63  }
0x7b: {  	_ =	swait.ge [sflag:s25], $0x10  }
0x7c: {  	[sflag:s25] =	ssyncset.done $0x0  }
0x7d: {  	s28 =	simm.s32 $0xC00;
	[sflag:s25] =	ssyncadd.s32 $0xFFFFFFF0  }
0x7e: {  	[spmem:s8] =	stream.linear.scatter [tilespmem:s28], [sflag:$0x4], $0x10, $0x38;
	[tilespmem:$0x1030] =	vst v63  }
0x7f: {  	_ =	swait.ge [sflag:s25], $0x10  }
0x80: {  	[sflag:s25] =	ssyncset.done $0x0  }
0x81: {  	[sflag:s25] =	ssyncadd.s32 $0xFFFFFFF0  }
0x82: {  	s29 =	simm.s32 $0xC80;
	[bflag:$0x0] =	sbarrier.arrive $0xFFFF  }
0x83: {  	[tilespmem:s29], [sflag:$0x4] =	stream.linear.gather [spmem:s7], $0x100, $0x38;
	[tilespmem:$0x1030] =	vst v63  }
0x84: {  	_ =	swait.ge [sflag:s25], $0x100  }
0x85: {  	[sflag:s25] =	ssyncset.done $0x0  }
0x86: {  	[sflag:s25] =	ssyncadd.s32 $0xFFFFFF00  }
0x87: {  	v0 =	vld [tilespmem:$0xC80];
	_ =	sdelay $0x1  }
0x88: {  	v1 =	vld [tilespmem:$0xC90];
	_ =	sdelay $0x1  }
0x89: {  	v2 =	vld [tilespmem:$0xCA0]  }
0x8a: {  	v0 =	vadd.f32 $0.0e+00, v0  }
0x8b: {  	v3 =	vld [tilespmem:$0xCB0]  }
0x8c: {  	v0 =	vadd.f32 v1, v0  }
0x8d: {  	v1 =	vld [tilespmem:$0xCC0]  }
0x8e: {  	v0 =	vadd.f32 v2, v0  }
0x8f: {  	v2 =	vld [tilespmem:$0xCD0]  }
0x90: {  	v0 =	vadd.f32 v3, v0  }
0x91: {  	v3 =	vld [tilespmem:$0xCE0]  }
0x92: {  	v0 =	vadd.f32 v1, v0  }
0x93: {  	v1 =	vld [tilespmem:$0xCF0]  }
0x94: {  	v0 =	vadd.f32 v2, v0  }
0x95: {  	v2 =	vld [tilespmem:$0xD00]  }
0x96: {  	v0 =	vadd.f32 v3, v0  }
0x97: {  	v3 =	vld [tilespmem:$0xD10]  }
0x98: {  	v0 =	vadd.f32 v1, v0  }
0x99: {  	v1 =	vld [tilespmem:$0xD20]  }
0x9a: {  	v0 =	vadd.f32 v2, v0  }
0x9b: {  	v2 =	vld [tilespmem:$0xD30]  }
0x9c: {  	v0 =	vadd.f32 v3, v0  }
0x9d: {  	v3 =	vld [tilespmem:$0xD40]  }
0x9e: {  	v0 =	vadd.f32 v1, v0  }
0x9f: {  	v1 =	vld [tilespmem:$0xD50]  }
0xa0: {  	v0 =	vadd.f32 v2, v0  }
0xa1: {  	v5 =	vld [tilespmem:$0xD60]  }
0xa2: {  	v0 =	vadd.f32 v3, v0  }
0xa3: {  	v3 =	vld [tilespmem:$0xD70]  }
0xa4: {  	v0 =	vadd.f32 v1, v0;
	_ =	sdelay $0x1  }
0xa5: {  	v2 =	vmul.u32 $0x8, v4;
	v0 =	vadd.f32 v5, v0  }
0xa6: {  	s8 =	simm.s32 $0x0;
	v1 =	vimm.s32 $0x1  }
0xa7: {  	v7 =	vor.u32 $0x2, v2;
	v5 =	vor.u32 s8, v2;
	v0 =	vadd.f32 v3, v0  }
0xa8: {  	v4 =	vor.u32 $0x1, v2;
	v9 =	vor.u32 s8, v7  }
0xa9: {  	v3 =	vor.u32 s8, v4;
	[tilespmem:$0xB00] =	vst v0  }
0xaa: {  	v11 =	vimm.s32 $0x3;
	v0 =	vld.msk [tilespmem:s23+$0x0], $0xffff  }
0xab: {  	v6 =	vimm.s32 $0x2;
	s7 =	simm.s32 $0x200;
	v8 =	vor.u32 $0x3, v2;
	v1 =	vld.idx.msk [tilespmem:v1+s23+$0x0], $0xffff  }
0xac: {  	v15 =	vor.u32 s8, v8;
	v17 =	vld.idx.msk [tilespmem:v5+s7+$0x0], $0xffff  }
0xad: {  	v16 =	vimm.s32 $0x4;
	v10 =	vor.u32 $0x4, v2;
	v20 =	vld.idx.msk [tilespmem:v9+s7+$0x0], $0xffff  }
0xae: {  	v18 =	vor.u32 s8, v10;
	v12 =	vld.idx.msk [tilespmem:v3+s7+$0x0], $0xffff  }
0xaf: {  	v19 =	vimm.s32 $0x5;
	v5 =	vld.idx.msk [tilespmem:v11+s23+$0x0], $0xffff  }
0xb0: {  	v13 =	vor.u32 $0x5, v2;
	v3 =	vld.idx.msk [tilespmem:v6+s23+$0x0], $0xffff  }
0xb1: {  	v14 =	vor.u32 $0x6, v2;
	v11 =	vor.u32 s8, v13;
	v22 =	vld.idx.msk [tilespmem:v15+s7+$0x0], $0xffff  }
0xb2: {  	v21 =	vimm.s32 $0x6;
	v6 =	vld.idx.msk [tilespmem:v16+s23+$0x0], $0xffff;
	v16 =	vor.u32 s8, v14  }
0xb3: {  	v15 =	vor.u32 $0x7, v2;
	v18 =	vld.idx.msk [tilespmem:v18+s7+$0x0], $0xffff;
	v17 =	vmul.f32 v17, v0;
	v12 =	vmul.f32 v12, v1  }
0xb4: {  	v9 =	vld.idx.msk [tilespmem:v19+s23+$0x0], $0xffff;
	v19 =	vor.u32 s8, v15  }
0xb5: {  	v23 =	vimm.s32 $0x7;
	v12 =	vadd.f32 v12, v17;
	v17 =	vmul.f32 v20, v3  }
0xb6: {  	v20 =	vld.idx.msk [tilespmem:v11+s7+$0x0], $0xffff  }
0xb7: {  	v60 =	vmul.f32 v22, v5;
	v16 =	vld.idx.msk [tilespmem:v16+s7+$0x0], $0xffff;
	v17 =	vadd.f32 v17, v12  }
0xb8: {  	v11 =	vld.idx.msk [tilespmem:v21+s23+$0x0], $0xffff  }
0xb9: {  	v19 =	vld.idx.msk [tilespmem:v19+s7+$0x0], $0xffff;
	v18 =	vmul.f32 v18, v6;
	v17 =	vadd.f32 v60, v17  }
0xba: {  	v12 =	vld.idx.msk [tilespmem:v23+s23+$0x0], $0xffff  }
0xbb: {  	v17 =	vadd.f32 v18, v17;
	v18 =	vmul.f32 v20, v9;
	_ =	sdelay $0x1  }
0xbc: {  	s30 =	simm.s32 $0xA00;
	v16 =	vmul.f32 v16, v11;
	v17 =	vadd.f32 v18, v17  }
0xbd: {  	v18 =	vld [tilespmem:s30+$0x0]  }
0xbe: {  	v16 =	vadd.f32 v16, v17;
	v17 =	vmul.f32 v19, v12  }
0xbf: {  	s31 =	simm.s32 $0x80  }
0xc0: {  	v19 =	vor.u32 s31, v4;
	v16 =	vadd.f32 v17, v16  }
0xc1: {  	v17 =	vor.u32 s31, v2  }
0xc2: {  	v18 =	vsub.f32 v18, v16  }
0xc3: {  	v20 =	vor.u32 s31, v7;
	[tilespmem:s30+$0x0] =	vst v16  }
0xc4: {  	[tilespmem:s8+$0x0] =	vst v18  }
0xc5: {  	v18 =	vor.u32 s31, v8;
	v16 =	vld.idx.msk [tilespmem:v19+s7+$0x0], $0xffff  }
0xc6: {  	v17 =	vld.idx.msk [tilespmem:v17+s7+$0x0], $0xffff  }
0xc7: {  	v19 =	vor.u32 s31, v10  }
0xc8: {  	v20 =	vld.idx.msk [tilespmem:v20+s7+$0x0], $0xffff  }
0xc9: {  	v61 =	vor.u32 s31, v13  }
0xca: {  	v18 =	vld.idx.msk [tilespmem:v18+s7+$0x0], $0xffff  }
0xcb: {  	v62 =	vor.u32 s31, v14;
	v17 =	vmul.f32 v17, v0;
	v16 =	vmul.f32 v16, v1  }
0xcc: {  	v19 =	vld.idx.msk [tilespmem:v19+s7+$0x0], $0xffff  }
0xcd: {  	v63 =	vor.u32 s31, v15;
	v16 =	vadd.f32 v16, v17;
	v17 =	vmul.f32 v20, v3  }
0xce: {  	v20 =	vld.idx.msk [tilespmem:v61+s7+$0x0], $0xffff  }
0xcf: {  	v16 =	vadd.f32 v17, v16;
	v17 =	vmul.f32 v18, v5  }
0xd0: {  	v18 =	vld.idx.msk [tilespmem:v62+s7+$0x0], $0xffff  }
0xd1: {  	v16 =	vadd.f32 v17, v16;
	v17 =	vmul.f32 v19, v6  }
0xd2: {  	v19 =	vld.idx.msk [tilespmem:v63+s7+$0x0], $0xffff  }
0xd3: {  	v16 =	vadd.f32 v17, v16;
	v17 =	vmul.f32 v20, v9;
	_ =	sdelay $0x1  }
0xd4: {  	s9 =	simm.s32 $0xA10;
	v16 =	vadd.f32 v17, v16;
	v17 =	vmul.f32 v18, v11  }
0xd5: {  	v18 =	vld [tilespmem:s9+$0x0]  }
0xd6: {  	v19 =	vmul.f32 v19, v12;
	v17 =	vadd.f32 v17, v16  }
0xd7: {  	s10 =	simm.s32 $0x100  }
0xd8: {  	v16 =	vor.u32 s10, v4;
	v19 =	vadd.f32 v19, v17  }
0xd9: {  	s11 =	simm.s32 $0x180;
	v17 =	vor.u32 s10, v2  }
.LBB2_6:
0xda: {  	p0 =	sne.s32 s11, $0x780;
	v18 =	vsub.f32 v18, v19  }
0xdb: {  	v20 =	vor.u32 s10, v7;
	s8 =	sadd.s32 $0x10, s8;
	[tilespmem:s9+$0x0] =	vst v19  }
0xdc: {  	[tilespmem:s8+$0x0] =	vst v18  }
0xdd: {  	v18 =	vor.u32 s10, v8;
	v16 =	vld.idx.msk [tilespmem:v16+s7+$0x0], $0xffff  }
0xde: {  	v17 =	vld.idx.msk [tilespmem:v17+s7+$0x0], $0xffff  }
0xdf: {  	v19 =	vor.u32 s10, v10  }
0xe0: {  	v20 =	vld.idx.msk [tilespmem:v20+s7+$0x0], $0xffff  }
0xe1: {  	v21 =	vor.u32 s10, v13  }
0xe2: {  	v18 =	vld.idx.msk [tilespmem:v18+s7+$0x0], $0xffff  }
0xe3: {  	v22 =	vor.u32 s10, v14  }
0xe4: {  	v16 =	vmul.f32 v16, v1;
	v17 =	vmul.f32 v17, v0;
	v19 =	vld.idx.msk [tilespmem:v19+s7+$0x0], $0xffff  }
0xe5: {  	v23 =	vor.u32 s10, v15;
	s10 =	smov.u32 s11  }
0xe6: {  	v16 =	vadd.f32 v16, v17;
	v17 =	vmul.f32 v20, v3;
	v20 =	vld.idx.msk [tilespmem:v21+s7+$0x0], $0xffff;
	_ =	sdelay $0x1  }
0xe7: {  	v16 =	vadd.f32 v17, v16;
	v17 =	vmul.f32 v18, v5;
	v18 =	vld.idx.msk [tilespmem:v22+s7+$0x0], $0xffff;
	_ =	sdelay $0x1  }
0xe8: {  	v16 =	vadd.f32 v17, v16;
	v17 =	vmul.f32 v19, v6;
	v19 =	vld.idx.msk [tilespmem:v23+s7+$0x0], $0xffff;
	_ =	sdelay $0x1  }
0xe9: {  	v16 =	vadd.f32 v17, v16;
	v17 =	vmul.f32 v20, v9;
	_ =	sdelay $0x1  }
0xea: {  	s9 =	sadd.s32 $0x10, s9;
	v16 =	vadd.f32 v17, v16;
	v17 =	vmul.f32 v18, v11  }
.Ltmp3:
0xeb: {  	v18 =	vld [tilespmem:s9+$0x0];
	(pc) =	sbr.rel @p0 .LBB2_6-.Ltmp3, $3  }
0xec: {  	v17 =	vadd.f32 v17, v16;
	v19 =	vmul.f32 v19, v12;
	_ =	sdelay $0x1  }
0xed: {  	v16 =	vor.u32 s11, v4;
	v19 =	vadd.f32 v19, v17  }
0xee: {  	s11 =	sadd.s32 $0x80, s11;
	v17 =	vor.u32 s10, v2  }
0xef: {  	_ = 	snop  }
0xf0: {  	v2 =	vsub.f32 v18, v19  }
0xf1: {  	v4 =	vor.u32 s10, v7;
	[tilespmem:s9+$0x0] =	vst v19;
	s8 =	sadd.s32 $0x10, s8  }
0xf2: {  	[tilespmem:s8+$0x0] =	vst v2  }
0xf3: {  	v50 =	vor.u32 s10, v8;
	v2 =	vld.idx.msk [tilespmem:v16+s7+$0x0], $0xffff  }
0xf4: {  	v51 =	vld.idx.msk [tilespmem:v17+s7+$0x0], $0xffff  }
0xf5: {  	v10 =	vor.u32 s10, v10  }
0xf6: {  	v4 =	vld.idx.msk [tilespmem:v4+s7+$0x0], $0xffff  }
0xf7: {  	v13 =	vor.u32 s10, v13  }
0xf8: {  	v7 =	vld.idx.msk [tilespmem:v50+s7+$0x0], $0xffff  }
0xf9: {  	v14 =	vor.u32 s10, v14;
	v0 =	vmul.f32 v51, v0;
	v1 =	vmul.f32 v2, v1  }
0xfa: {  	v52 =	vld.idx.msk [tilespmem:v10+s7+$0x0], $0xffff  }
0xfb: {  	v53 =	vor.u32 s10, v15;
	v0 =	vadd.f32 v1, v0;
	v54 =	vmul.f32 v4, v3  }
0xfc: {  	v55 =	vld.idx.msk [tilespmem:v13+s7+$0x0], $0xffff  }
0xfd: {  	v56 =	vmul.f32 v7, v5;
	v0 =	vadd.f32 v54, v0  }
0xfe: {  	v57 =	vld.idx.msk [tilespmem:v14+s7+$0x0], $0xffff  }
0xff: {  	v58 =	vmul.f32 v52, v6;
	v0 =	vadd.f32 v56, v0  }
0x100: {  	v59 =	vld.idx.msk [tilespmem:v53+s7+$0x0], $0xffff  }
0x101: {  	v60 =	vmul.f32 v55, v9;
	v0 =	vadd.f32 v58, v0;
	_ =	sdelay $0x1  }
0x102: {  	s28 =	sadd.s32 $0x10, s9;
	v61 =	vmul.f32 v57, v11;
	v0 =	vadd.f32 v60, v0  }
0x103: {  	v62 =	vld [tilespmem:s28+$0x0]  }
0x104: {  	v63 =	vmul.f32 v59, v12;
	v0 =	vadd.f32 v61, v0;
	_ =	sdelay $0x1  }
0x105: {  	v0 =	vadd.f32 v63, v0;
	_ =	sdelay $0x1  }
0x106: {  	p0 =	sne.s32 s1, $0x0;
	v1 =	vsub.f32 v62, v0  }
.Ltmp4:
0x107: {  	s29 =	sadd.s32 $0x10, s8;
	[tilespmem:s28+$0x0] =	vst v0;
	(pc) =	sbr.rel @p0 .LBB2_15-.Ltmp4, $4  }
0x108: {  	s30 =	simm.s32 $0x0;
	s31 =	simm.s32 $0xA00;
	[tilespmem:s29+$0x0] =	vst v1  }
0x109: {  	[hbm4b:s5+s30] =	stream.linear.scatter [tilespmem:s31], [sflag:$0x3], $0x100, $0x38;
	[tilespmem:$0x1030] =	vst v63  }
0x10a: {  	_ = 	snop  }
0x10b: {  	[hbm4b:s6+s30] =	stream.linear.scatter [tilespmem:s30], [sflag:$0x3], $0x100, $0x38;
	[tilespmem:$0x1030] =	vst v63  }
0x10c: {  	s5 =	simm.s32 $0xC80;
	s26 =	simm.s32 $0x4  }
0x10d: {  	[tilespmem:s5], [sflag:$0x4] =	stream.linear.gather [spmem:s4], $0x100, $0x38;
	[tilespmem:$0x1030] =	vst v63  }
0x10e: {  	_ =	swait.ge [sflag:s26], $0x100  }
0x10f: {  	[sflag:s26] =	ssyncset.done $0x0  }
0x110: {  	s28 =	simm.s32 $0xD80;
	[sflag:s26] =	ssyncadd.s32 $0xFFFFFF00  }
0x111: {  	[tilespmem:s28], [sflag:$0x4] =	stream.linear.gather [spmem:s3], $0x100, $0x38;
	[tilespmem:$0x1030] =	vst v63  }
0x112: {  	_ =	swait.ge [sflag:s26], $0x100  }
0x113: {  	[sflag:s26] =	ssyncset.done $0x0  }
0x114: {  	s29 =	simm.s32 $0x0;
	[sflag:s26] =	ssyncadd.s32 $0xFFFFFF00  }
0x115: {  	v0 =	vld [tilespmem:s29+$0xC80]  }
0x116: {  	v1 =	vld [tilespmem:s29+$0xD80];
	_ =	sdelay $0x4  }
0x117: {  	(xrf1) =	vsort.dscd.msk.f32 $0xffff, v0, v1;
	_ =	sdelay $0x8  }
0x118: {  	s30 =	simm.s32 $0x10  }
0x119: {  	v0 =	vld [tilespmem:s30+$0xC80]  }
0x11a: {  	v1 =	vld [tilespmem:s30+$0xD80];
	_ =	sdelay $0x2  }
0x11b: {  	v2 =	vimm.f32 $-1.000000000e+00;
	v3, v4, _ =	vpop (xrf1)  }
0x11c: {  	v5 =	vimm.s32 $0x0;
	vm1 =	vgt.f32 v3, v2  }
0x11d: {  	(xrf1) =	vsort.dscd.msk.f32 $0xffff, v0, v1;
	v1 =	vsel vm1, v3, v2;
	v2 =	vsel vm1, v4, v5  }
0x11e: {  	(xrf1) =	vsort.ascd.msk.f32 $0xffff, v1, v2;
	_ =	sdelay $0x8  }
0x11f: {  	s31 =	simm.s32 $0x20  }
0x120: {  	v0 =	vld [tilespmem:s31+$0xC80]  }
0x121: {  	s3 =	simm.s32 $0xC0;
	v1 =	vld [tilespmem:s31+$0xD80]  }
.LBB2_9:
0x122: {  	p0 =	sne.s32 s3, $0x3C0  }
0x123: {  	v2, v3, _ =	vpop (xrf1)  }
0x124: {  	v4, v5, _ =	vpop (xrf1)  }
0x125: {  	vm1 =	vgt.f32 v2, v4  }
0x126: {  	(xrf1) =	vsort.dscd.msk.f32 $0xffff, v0, v1;
	v0 =	vsel vm1, v2, v4;
	v1 =	vsel vm1, v3, v5  }
0x127: {  	(xrf1) =	vsort.ascd.msk.f32 $0xffff, v0, v1;
	_ =	sdelay $0x6  }
.Ltmp5:
0x128: {  	(pc) =	sbr.rel @p0 .LBB2_9-.Ltmp5, $4  }
0x129: {  	_ = 	snop  }
0x12a: {  	s4 =	sshra.s32 s3, $0x2  }
0x12b: {  	v0 =	vld [tilespmem:s4+$0xC80]  }
0x12c: {  	s3 =	sadd.s32 $0x40, s3;
	v1 =	vld [tilespmem:s4+$0xD80]  }
0x12d: {  	_ = 	snop  }
0x12e: {  	v2, v3, _ =	vpop (xrf1)  }
0x12f: {  	v4, v5, _ =	vpop (xrf1)  }
0x130: {  	vm1 =	vgt.f32 v2, v4  }
0x131: {  	(xrf1) =	vsort.dscd.msk.f32 $0xffff, v0, v1;
	v0 =	vsel vm1, v2, v4;
	v1 =	vsel vm1, v3, v5  }
0x132: {  	(xrf1) =	vsort.ascd.msk.f32 $0xffff, v0, v1;
	_ =	sdelay $0xc  }
0x133: {  	v0, v1, _ =	vpop (xrf1)  }
0x134: {  	v2, v3, _ =	vpop (xrf1)  }
0x135: {  	vm1 =	vgt.f32 v0, v2  }
0x136: {  	v0 =	vsel vm1, v0, v2;
	v1 =	vsel vm1, v1, v3  }
0x137: {  	(xrf1) =	vsort.ascd.msk.f32 $0xffff, v0, v1;
	_ =	sdelay $0x8  }
0x138: {  	s3 =	simm.s32 $0x1;
	v1 =	vlaneseq.u32  }
0x139: {  	v0 =	vadd.s32 s3, v1  }
0x13a: {  	v0 =	vand.u32 $0x7, v0  }
0x13b: {  	v2 =	vor.u32 $0x8, v0;
	_ =	sdelay $0x1  }
0x13c: {  	v0, v3, _ =	vpop (xrf1)  }
0x13d: {  	[tilespmem:$0xB80] =	vst v0  }
0x13e: {  	s3 =	simm.s32 $0xB80;
	[tilespmem:$0xC00] =	vst v3  }
0x13f: {  	v4 =	vld.idx.msk [tilespmem:v2+s3+$0x0], $0xffff;
	_ =	sdelay $0x1  }
0x140: {  	s4 =	simm.s32 $0xC00;
	s5 =	simm.s32 $0x2  }
0x141: {  	v5 =	vld.idx.msk [tilespmem:v2+s4+$0x0], $0xffff;
	v2 =	vadd.s32 s5, v1  }
0x142: {  	v2 =	vand.u32 $0x7, v2  }
0x143: {  	v6 =	vor.u32 $0x8, v2;
	v4 =	vmul.f32 v4, v0;
	_ =	sdelay $0x1  }
0x144: {  	s6 =	simm.s32 $0xF00;
	v2 =	vshll.u32 v3, $0xC;
	v3 =	vsel vm0, $0xBF800000, v4  }
0x145: {  	s5 =	simm.s32 $0xF80;
	[tilespmem:s6+$0x0] =	vst v3;
	v3 =	vadd.s32 v2, v5  }
0x146: {  	[tilespmem:s5+$0x0] =	vst v3  }
0x147: {  	v4 =	vld.idx.msk [tilespmem:v6+s3+$0x0], $0xffff;
	_ =	sdelay $0x1  }
0x148: {  	s7 =	simm.s32 $0x3  }
0x149: {  	v5 =	vadd.s32 s7, v1;
	v3 =	vld.idx.msk [tilespmem:v6+s4+$0x0], $0xffff  }
0x14a: {  	s7 =	simm.s32 $0x4;
	v5 =	vand.u32 $0x7, v5  }
.LBB2_11:
0x14b: {  	p0 =	sne.s32 s7, $0x7;
	v5 =	vor.u32 $0x8, v5;
	v4 =	vmul.f32 v4, v0;
	_ =	sdelay $0x1  }
0x14c: {  	s6 =	sadd.s32 $0x10, s6;
	v4 =	vsel vm0, $0xBF800000, v4  }
0x14d: {  	s5 =	sadd.s32 $0x10, s5;
	v3 =	vadd.s32 v2, v3;
	[tilespmem:s6+$0x0] =	vst v4  }
0x14e: {  	[tilespmem:s5+$0x0] =	vst v3  }
0x14f: {  	v4 =	vld.idx.msk [tilespmem:v5+s3+$0x0], $0xffff  }
.Ltmp6:
0x150: {  	(pc) =	sbr.rel @p0 .LBB2_11-.Ltmp6, $4  }
0x151: {  	_ = 	snop  }
0x152: {  	v3 =	vld.idx.msk [tilespmem:v5+s4+$0x0], $0xffff  }
0x153: {  	v5 =	vadd.s32 s7, v1  }
0x154: {  	s7 =	sadd.s32 $0x1, s7;
	v5 =	vand.u32 $0x7, v5  }
0x155: {  	v1 =	vor.u32 $0x8, v5;
	v4 =	vmul.f32 v4, v0;
	_ =	sdelay $0x1  }
0x156: {  	s6 =	sadd.s32 $0x10, s6;
	v4 =	vsel vm0, $0xBF800000, v4  }
0x157: {  	s5 =	sadd.s32 $0x10, s5;
	v3 =	vadd.s32 v2, v3;
	[tilespmem:s6+$0x0] =	vst v4  }
0x158: {  	[tilespmem:s5+$0x0] =	vst v3  }
0x159: {  	v3 =	vld.idx.msk [tilespmem:v1+s3+$0x0], $0xffff;
	_ =	sdelay $0x2  }
0x15a: {  	v1 =	vld.idx.msk [tilespmem:v1+s4+$0x0], $0xffff;
	_ =	sdelay $0x1  }
0x15b: {  	v0 =	vmul.f32 v3, v0;
	_ =	sdelay $0x1  }
0x15c: {  	s25 =	sadd.s32 $0x10, s6;
	v0 =	vsel vm0, $0xBF800000, v0  }
0x15d: {  	s26 =	sadd.s32 $0x10, s5;
	[tilespmem:s25+$0x0] =	vst v0;
	v0 =	vadd.s32 v2, v1  }
0x15e: {  	[tilespmem:s26+$0x0] =	vst v0  }
0x15f: {  	v1 =	vld [tilespmem:$0xF00]  }
0x160: {  	v2 =	vld [tilespmem:$0xF10]  }
0x161: {  	v3 =	vld [tilespmem:$0xF20]  }
0x162: {  	v4 =	vld [tilespmem:$0xF30]  }
0x163: {  	v5 =	vld [tilespmem:$0xF40]  }
0x164: {  	v6 =	vld [tilespmem:$0xF50];
	v0 =	vmax.f32 v1, $-1.000000000e+00  }
0x165: {  	v7 =	vld [tilespmem:$0xF60];
	v0 =	vmax.f32 v0, v2  }
0x166: {  	v0 =	vmax.f32 v0, v3  }
0x167: {  	v0 =	vmax.f32 v0, v4  }
0x168: {  	v0 =	vmax.f32 v0, v5  }
0x169: {  	v0 =	vmax.f32 v0, v6  }
0x16a: {  	v0 =	vmax.f32 v0, v7  }
0x16b: {  	(xrf0) =	vmax.scan.msk.f32 $0xffff, v0;
	_ =	sdelay $0x2  }
0x16c: {  	v8 =	vld [tilespmem:$0xF80];
	_ =	sdelay $0x2  }
0x16d: {  	v10 =	vld [tilespmem:$0xF90];
	v9, _, _ =	vpop (xrf0)  }
0x16e: {  	v0 =	vbroadcast v9, $0xF  }
0x16f: {  	v11 =	vld [tilespmem:$0xFA0];
	vm0 =	vlt.s32 v8, $0x40000000  }
0x170: {  	v12 =	vnsel vm0, $0x40000000, v8;
	vm1 =	veq.f32 v1, v0  }
0x171: {  	v13 =	vld [tilespmem:$0xFB0];
	v12 =	vnsel vm1, $0x40000000, v12  }
0x172: {  	vm0 =	vlt.s32 v12, v10  }
0x173: {  	v14 =	vld [tilespmem:$0xFC0];
	vm1 =	veq.f32 v2, v0;
	v10 =	vsel vm0, v12, v10;
	vm0 =	veq.f32 v3, v0  }
0x174: {  	v10 =	vsel vm1, v10, v12;
	v11 =	vnsel vm0, $0x40000000, v11  }
0x175: {  	v51 =	vld [tilespmem:$0xFD0];
	vm1 =	veq.f32 v4, v0;
	vm0 =	vlt.s32 v10, v11  }
0x176: {  	v10 =	vsel vm0, v10, v11;
	v11 =	vnsel vm1, $0x40000000, v13  }
0x177: {  	v52 =	vld [tilespmem:$0xFE0];
	vm1 =	veq.f32 v5, v0;
	vm0 =	vlt.s32 v10, v11  }
0x178: {  	v10 =	vsel vm0, v10, v11;
	v11 =	vnsel vm1, $0x40000000, v14  }
0x179: {  	vm1 =	veq.f32 v6, v0;
	vm0 =	vlt.s32 v10, v11  }
0x17a: {  	v10 =	vsel vm0, v10, v11;
	v11 =	vnsel vm1, $0x40000000, v51  }
0x17b: {  	vm1 =	veq.f32 v7, v0;
	vm0 =	vlt.s32 v10, v11  }
0x17c: {  	v10 =	vsel vm0, v10, v11;
	v11 =	vnsel vm1, $0x40000000, v52  }
0x17d: {  	vm0 =	vlt.s32 v10, v11  }
0x17e: {  	v10 =	vsel vm0, v10, v11  }
0x17f: {  	v10 =	vxor.u32 $0x80000000, v10  }
0x180: {  	(xrf0) =	vmin.scan.msk.u32 $0xffff, v10;
	_ =	sdelay $0x5  }
0x181: {  	v10, _, _ =	vpop (xrf0)  }
0x182: {  	(v2sf) =	vpush v10, $0xF;
	_ =	sdelay $0xc  }
0x183: {  	v10 =	vld [tilespmem:$0xF90]  }
0x184: {  	v11 =	vld [tilespmem:$0xFA0]  }
0x185: {  	v53 =	vld [tilespmem:$0xFB0];
	s28 =	spop (v2sf)  }
0x186: {  	v54 =	vld [tilespmem:$0xFC0];
	s29 =	sxor.u32 $0x80000000, s28  }
0x187: {  	vm0 =	veq.s32 v8, s29;
	v8 =	vld [tilespmem:$0xFD0]  }
0x188: {  	v1 =	vsel vm0, $0xBF800000, v1;
	vm0 =	veq.s32 v10, s29;
	v10 =	vld [tilespmem:$0xFE0]  }
0x189: {  	[tilespmem:$0xF00] =	vst v1;
	v1 =	vsel vm0, $0xBF800000, v2;
	vm0 =	veq.s32 v11, s29  }
0x18a: {  	[tilespmem:$0xF10] =	vst v1;
	v1 =	vsel vm0, $0xBF800000, v3;
	vm0 =	veq.s32 v53, s29;
	v11 =	vld [tilespmem:$0xF00]  }
0x18b: {  	[tilespmem:$0xF20] =	vst v1;
	v1 =	vsel vm0, $0xBF800000, v4;
	vm0 =	veq.s32 v54, s29;
	v4 =	vld [tilespmem:$0xF10]  }
0x18c: {  	[tilespmem:$0xF30] =	vst v1;
	v1 =	vsel vm0, $0xBF800000, v5;
	vm0 =	veq.s32 v8, s29;
	v5 =	vld [tilespmem:$0xF20]  }
0x18d: {  	[tilespmem:$0xF40] =	vst v1;
	v1 =	vsel vm0, $0xBF800000, v6;
	vm0 =	veq.s32 v10, s29;
	v6 =	vld [tilespmem:$0xF30]  }
0x18e: {  	[tilespmem:$0xF50] =	vst v1;
	v1 =	vsel vm0, $0xBF800000, v7;
	v7 =	vld [tilespmem:$0xF40]  }
0x18f: {  	[tilespmem:$0xF60] =	vst v1;
	v1 =	vmax.f32 v11, $-1.000000000e+00;
	v8 =	vld [tilespmem:$0xF50]  }
0x190: {  	v1 =	vmax.f32 v1, v4;
	v3 =	vld [tilespmem:$0xF60]  }
0x191: {  	v1 =	vmax.f32 v1, v5  }
0x192: {  	v1 =	vmax.f32 v1, v6  }
0x193: {  	v1 =	vmax.f32 v1, v7  }
0x194: {  	v1 =	vmax.f32 v1, v8  }
0x195: {  	v1 =	vmax.f32 v1, v3  }
0x196: {  	(xrf0) =	vmax.scan.msk.f32 $0xffff, v1;
	_ =	sdelay $0x2  }
0x197: {  	v10 =	vld [tilespmem:$0xF80];
	_ =	sdelay $0x2  }
0x198: {  	v1 =	vld [tilespmem:$0xF90];
	v2, _, _ =	vpop (xrf0)  }
0x199: {  	v55 =	vbroadcast v2, $0xF  }
0x19a: {  	vm0 =	vlt.s32 v10, $0x40000000;
	v2 =	vld [tilespmem:$0xFA0]  }
0x19b: {  	v56 =	vnsel vm0, $0x40000000, v10;
	vm1 =	veq.f32 v11, v55  }
0x19c: {  	v57 =	vld [tilespmem:$0xFB0];
	v13 =	vnsel vm1, $0x40000000, v56  }
0x19d: {  	vm0 =	vlt.s32 v13, v1  }
0x19e: {  	v15 =	vld [tilespmem:$0xFC0];
	vm1 =	veq.f32 v4, v55;
	v1 =	vsel vm0, v13, v1;
	vm0 =	veq.f32 v5, v55  }
0x19f: {  	v1 =	vsel vm1, v1, v13;
	v2 =	vnsel vm0, $0x40000000, v2  }
0x1a0: {  	v58 =	vld [tilespmem:$0xFD0];
	vm1 =	veq.f32 v6, v55;
	vm0 =	vlt.s32 v1, v2  }
0x1a1: {  	v1 =	vsel vm0, v1, v2;
	v2 =	vnsel vm1, $0x40000000, v57  }
0x1a2: {  	v59 =	vld [tilespmem:$0xFE0];
	vm1 =	veq.f32 v7, v55;
	vm0 =	vlt.s32 v1, v2  }
0x1a3: {  	v1 =	vsel vm0, v1, v2;
	v2 =	vnsel vm1, $0x40000000, v15  }
0x1a4: {  	vm1 =	veq.f32 v8, v55;
	vm0 =	vlt.s32 v1, v2  }
0x1a5: {  	v1 =	vsel vm0, v1, v2;
	v2 =	vnsel vm1, $0x40000000, v58  }
0x1a6: {  	vm1 =	veq.f32 v3, v55;
	vm0 =	vlt.s32 v1, v2  }
0x1a7: {  	v1 =	vsel vm0, v1, v2;
	v2 =	vnsel vm1, $0x40000000, v59  }
0x1a8: {  	vm0 =	vlt.s32 v1, v2  }
0x1a9: {  	v1 =	vsel vm0, v1, v2  }
0x1aa: {  	v1 =	vxor.u32 $0x80000000, v1  }
0x1ab: {  	(xrf0) =	vmin.scan.msk.u32 $0xffff, v1;
	_ =	sdelay $0x5  }
0x1ac: {  	(v2sf) =	vpush v9, $0xF;
	v1, _, _ =	vpop (xrf0)  }
0x1ad: {  	(v2sf) =	vpush v1, $0xF;
	_ =	sdelay $0xa  }
0x1ae: {  	v60 =	vld [tilespmem:$0xFA0]  }
0x1af: {  	v61 =	vld [tilespmem:$0xFB0]  }
0x1b0: {  	v9 =	vld [tilespmem:$0xF90]  }
0x1b1: {  	s30 =	simm.s32 $0x1;
	v62 =	vld [tilespmem:$0xFC0];
	s3 =	spop (v2sf);
	vm1 =	vcmask $0x300  }
0x1b2: {  	v16 =	vld [tilespmem:$0xFD0];
	vm0 =	vmmov $0x1;
	v2 =	vmov s30;
	v1 =	vlaneseq.u32;
	s31 =	spop (v2sf)  }
0x1b3: {  	v0 =	vnsel vm0, $0x0, v0;
	vm0 =	veq.s32 v2, v1;
	v2 =	vmov s29;
	s6 =	sxor.u32 $0x80000000, s31  }
0x1b4: {  	v2 =	vnsel vm1, $0x0, v2;
	vm1 =	veq.s32 v10, s6;
	v10 =	vld [tilespmem:$0xFE0]  }
0x1b5: {  	v0 =	vsel vm0, v55, v0;
	vm2 =	veq.s32 v9, s6;
	vm3 =	veq.s32 v60, s6  }
0x1b6: {  	v11 =	vsel vm1, $0xBF800000, v11;
	v63 =	vsel vm2, $0xBF800000, v4;
	v9 =	vsel vm3, $0xBF800000, v5  }
0x1b7: {  	vm1 =	veq.s32 v61, s6;
	vm2 =	veq.s32 v62, s6;
	vm3 =	veq.s32 v16, s6;
	[tilespmem:$0xF00] =	vst v11  }
0x1b8: {  	s5 =	simm.s32 $0x3;
	s4 =	simm.s32 $0x2;
	[tilespmem:$0xF10] =	vst v63;
	v5 =	vsel vm1, $0xBF800000, v6;
	v7 =	vsel vm2, $0xBF800000, v7;
	v8 =	vsel vm3, $0xBF800000, v8;
	v4 =	vld [tilespmem:$0xF00]  }
.LBB2_13:
0x1b9: {  	p0 =	sne.s32 s5, $0x9;
	v6 =	vld [tilespmem:$0xF10];
	[tilespmem:$0xF20] =	vst v9;
	vm1 =	veq.s32 v10, s6;
	v2 =	vsel vm0, s6, v2  }
0x1ba: {  	v9 =	vld [tilespmem:$0xF20];
	[tilespmem:$0xF30] =	vst v5;
	v3 =	vsel vm1, $0xBF800000, v3  }
0x1bb: {  	v5 =	vld [tilespmem:$0xF30];
	[tilespmem:$0xF40] =	vst v7  }
0x1bc: {  	v7 =	vld [tilespmem:$0xF40];
	[tilespmem:$0xF50] =	vst v8  }
0x1bd: {  	v10 =	vmax.f32 v4, $-1.000000000e+00;
	v8 =	vld [tilespmem:$0xF50];
	[tilespmem:$0xF60] =	vst v3  }
0x1be: {  	v10 =	vmax.f32 v10, v6;
	v3 =	vld [tilespmem:$0xF60]  }
0x1bf: {  	v10 =	vmax.f32 v10, v9  }
0x1c0: {  	v10 =	vmax.f32 v10, v5  }
0x1c1: {  	v10 =	vmax.f32 v10, v7  }
0x1c2: {  	v10 =	vmax.f32 v10, v8  }
0x1c3: {  	v10 =	vmax.f32 v10, v3  }
0x1c4: {  	(xrf0) =	vmax.scan.msk.f32 $0xffff, v10;
	_ =	sdelay $0x2  }
0x1c5: {  	v11 =	vld [tilespmem:$0xF80];
	_ =	sdelay $0x2  }
0x1c6: {  	v10 =	vld [tilespmem:$0xF90];
	v12, _, _ =	vpop (xrf0)  }
0x1c7: {  	v13 =	vmov s4;
	s4 =	smov.u32 s5;
	v12 =	vbroadcast v12, $0xF  }
0x1c8: {  	vm0 =	veq.s32 v13, v1;
	vm1 =	vlt.s32 v11, $0x40000000;
	v14 =	vld [tilespmem:$0xFA0]  }
0x1c9: {  	vm2 =	veq.f32 v4, v12;
	v13 =	vnsel vm1, $0x40000000, v11;
	v0 =	vsel vm0, v12, v0  }
0x1ca: {  	v13 =	vnsel vm2, $0x40000000, v13;
	v15 =	vld [tilespmem:$0xFB0]  }
0x1cb: {  	vm1 =	vlt.s32 v13, v10  }
0x1cc: {  	vm2 =	veq.f32 v6, v12;
	v10 =	vsel vm1, v13, v10;
	vm1 =	veq.f32 v9, v12;
	v16 =	vld [tilespmem:$0xFC0]  }
0x1cd: {  	v10 =	vsel vm2, v10, v13;
	v13 =	vnsel vm1, $0x40000000, v14  }
0x1ce: {  	vm2 =	veq.f32 v5, v12;
	vm1 =	vlt.s32 v10, v13;
	v14 =	vld [tilespmem:$0xFD0]  }
0x1cf: {  	v10 =	vsel vm1, v10, v13;
	v13 =	vnsel vm2, $0x40000000, v15  }
0x1d0: {  	vm2 =	veq.f32 v7, v12;
	vm1 =	vlt.s32 v10, v13;
	v15 =	vld [tilespmem:$0xFE0]  }
0x1d1: {  	v10 =	vsel vm1, v10, v13;
	v13 =	vnsel vm2, $0x40000000, v16  }
0x1d2: {  	vm2 =	veq.f32 v8, v12;
	vm1 =	vlt.s32 v10, v13  }
0x1d3: {  	v10 =	vsel vm1, v10, v13;
	v13 =	vnsel vm2, $0x40000000, v14  }
0x1d4: {  	vm2 =	veq.f32 v3, v12;
	vm1 =	vlt.s32 v10, v13  }
0x1d5: {  	v10 =	vsel vm1, v10, v13;
	v12 =	vnsel vm2, $0x40000000, v15  }
0x1d6: {  	vm1 =	vlt.s32 v10, v12  }
0x1d7: {  	v10 =	vsel vm1, v10, v12  }
0x1d8: {  	v10 =	vxor.u32 $0x80000000, v10  }
0x1d9: {  	(xrf0) =	vmin.scan.msk.u32 $0xffff, v10;
	_ =	sdelay $0x5  }
0x1da: {  	v10, _, _ =	vpop (xrf0)  }
0x1db: {  	(v2sf) =	vpush v10, $0xF;
	_ =	sdelay $0x9  }
0x1dc: {  	v12 =	vld [tilespmem:$0xF90]  }
0x1dd: {  	v13 =	vld [tilespmem:$0xFA0]  }
0x1de: {  	v14 =	vld [tilespmem:$0xFB0]  }
0x1df: {  	v15 =	vld [tilespmem:$0xFC0]  }
0x1e0: {  	v16 =	vld [tilespmem:$0xFD0]  }
0x1e1: {  	s6 =	spop (v2sf)  }
.Ltmp7:
0x1e2: {  	s6 =	sxor.u32 $0x80000000, s6;
	v10 =	vld [tilespmem:$0xFE0];
	(pc) =	sbr.rel @p0 .LBB2_13-.Ltmp7, $4  }
0x1e3: {  	vm1 =	veq.s32 v11, s6;
	vm2 =	veq.s32 v12, s6;
	vm3 =	veq.s32 v13, s6  }
0x1e4: {  	v4 =	vsel vm1, $0xBF800000, v4;
	v6 =	vsel vm2, $0xBF800000, v6;
	v9 =	vsel vm3, $0xBF800000, v9  }
0x1e5: {  	vm1 =	veq.s32 v14, s6;
	vm2 =	veq.s32 v15, s6;
	[tilespmem:$0xF00] =	vst v4;
	vm3 =	veq.s32 v16, s6  }
0x1e6: {  	s5 =	sadd.s32 $0x1, s5;
	v5 =	vsel vm1, $0xBF800000, v5;
	v7 =	vsel vm2, $0xBF800000, v7;
	v4 =	vld [tilespmem:$0xF00];
	[tilespmem:$0xF10] =	vst v6;
	v8 =	vsel vm3, $0xBF800000, v8  }
0x1e7: {  	v6 =	vld [tilespmem:$0xF10];
	[tilespmem:$0xF20] =	vst v9  }
0x1e8: {  	[tilespmem:$0xF30] =	vst v5;
	v9 =	vld [tilespmem:$0xF20]  }
0x1e9: {  	vm1 =	veq.s32 v10, s6;
	[tilespmem:$0xF40] =	vst v7;
	v5 =	vld [tilespmem:$0xF30]  }
0x1ea: {  	[tilespmem:$0xF50] =	vst v8;
	v3 =	vsel vm1, $0xBF800000, v3;
	v7 =	vld [tilespmem:$0xF40]  }
0x1eb: {  	v23 =	vld [tilespmem:$0xF50];
	[tilespmem:$0xF60] =	vst v3;
	v22 =	vmax.f32 v4, $-1.000000000e+00  }
0x1ec: {  	v25 =	vld [tilespmem:$0xF60];
	v24 =	vmax.f32 v22, v6  }
0x1ed: {  	v3 =	vmax.f32 v24, v9  }
0x1ee: {  	v3 =	vmax.f32 v3, v5  }
0x1ef: {  	v3 =	vmax.f32 v3, v7  }
0x1f0: {  	v3 =	vmax.f32 v3, v23  }
0x1f1: {  	v3 =	vmax.f32 v3, v25  }
0x1f2: {  	(xrf0) =	vmax.scan.msk.f32 $0xffff, v3;
	_ =	sdelay $0x2  }
0x1f3: {  	v26 =	vld [tilespmem:$0xF80];
	_ =	sdelay $0x2  }
0x1f4: {  	v11 =	vld [tilespmem:$0xF90];
	v12, _, _ =	vpop (xrf0)  }
0x1f5: {  	v12 =	vbroadcast v12, $0xF  }
0x1f6: {  	v13 =	vld [tilespmem:$0xFA0];
	vm5 =	vlt.s32 v26, $0x40000000  }
0x1f7: {  	v14 =	vnsel vm5, $0x40000000, v26;
	vm2 =	veq.f32 v4, v12  }
0x1f8: {  	v15 =	vld [tilespmem:$0xFB0];
	v14 =	vnsel vm2, $0x40000000, v14  }
0x1f9: {  	vm6 =	vlt.s32 v14, v11  }
0x1fa: {  	v16 =	vld [tilespmem:$0xFC0];
	vm7 =	veq.f32 v6, v12;
	vm8 =	veq.f32 v9, v12;
	v11 =	vsel vm6, v14, v11  }
0x1fb: {  	v13 =	vnsel vm8, $0x40000000, v13;
	v11 =	vsel vm7, v11, v14  }
0x1fc: {  	v27 =	vld [tilespmem:$0xFD0];
	vm9 =	veq.f32 v5, v12;
	vm1 =	vlt.s32 v11, v13  }
0x1fd: {  	v28 =	vnsel vm9, $0x40000000, v15;
	v11 =	vsel vm1, v11, v13  }
0x1fe: {  	v29 =	vld [tilespmem:$0xFE0];
	vm10 =	veq.f32 v7, v12;
	vm1 =	vlt.s32 v11, v28  }
0x1ff: {  	v30 =	vnsel vm10, $0x40000000, v16;
	v11 =	vsel vm1, v11, v28  }
0x200: {  	vm11 =	veq.f32 v23, v12;
	vm1 =	vlt.s32 v11, v30  }
0x201: {  	v31 =	vnsel vm11, $0x40000000, v27;
	v11 =	vsel vm1, v11, v30  }
0x202: {  	vm12 =	veq.f32 v25, v12;
	vm1 =	vlt.s32 v11, v31  }
0x203: {  	v32 =	vnsel vm12, $0x40000000, v29;
	v11 =	vsel vm1, v11, v31  }
0x204: {  	vm1 =	vlt.s32 v11, v32  }
0x205: {  	v11 =	vsel vm1, v11, v32  }
0x206: {  	v11 =	vxor.u32 $0x80000000, v11  }
0x207: {  	(xrf0) =	vmin.scan.msk.u32 $0xffff, v11;
	_ =	sdelay $0x5  }
0x208: {  	v11, _, _ =	vpop (xrf0)  }
0x209: {  	(v2sf) =	vpush v11, $0xF;
	_ =	sdelay $0x8  }
0x20a: {  	v33 =	vld [tilespmem:$0xF90]  }
0x20b: {  	v34 =	vld [tilespmem:$0xFA0];
	v37 =	vmov s4;
	v38 =	vsel vm0, s6, v2;
	s3 =	smax.f32 s3, $9.999999930e-09  }
0x20c: {  	v42 =	vimm.s32 $0xFC9630;
	v44 =	vimm.s32 $0xB08050E;
	v46 =	vimm.s32 $0x1714111A  }
0x20d: {  	v48 =	vimm.s32 $0xA07040D;
	v49 =	vimm.s32 $0x15121B18;
	v50 =	vimm.s32 $0x16131019  }
0x20e: {  	v35 =	vld [tilespmem:$0xFB0];
	v43 =	vmov s3;
	v45 =	vunpack.c.0.s8.s32 v44;
	v2 =	vunpack.c.0.s8.s32 v49  }
0x20f: {  	v36 =	vld [tilespmem:$0xFC0];
	v51 =	vunpack.c.0.s8.s32 v50;
	(erf) = vrcp.f32 v43;
	vm8 =	vcmask $0x1304  }
0x210: {  	vm9 =	vcmask $0x2314;
	vm10 =	vcmask $0x1700;
	vm1 =	veq.s32 v37, v1;
	s28 =	spop (v2sf)  }
0x211: {  	v17 =	vld [tilespmem:$0xFD0];
	vm11 =	vcmask $0x2724;
	vm12 =	vcmask $0x2718;
	v0 =	vsel vm1, v12, v0;
	s4 =	sxor.u32 $0x80000000, s28  }
0x212: {  	v11 =	vunpack.c.0.s8.s32 v46;
	vm13 =	veq.s32 v26, s4;
	vm14 =	veq.s32 v33, s4  }
0x213: {  	vm3 =	veq.s32 v34, s4;
	v40 =	vsel vm14, $0xBF800000, v6;
	v6 =	vunpack.c.l.s4.s8 v42  }
0x214: {  	vm15 =	veq.s32 v35, s4;
	vm6 =	veq.s32 v36, s4;
	v39 =	vsel vm13, $0xBF800000, v4  }
0x215: {  	v47 =	vld [tilespmem:$0xFE0];
	v41 =	vsel vm3, $0xBF800000, v9;
	v9 =	vnsel vm8, $0x2, v45;
	v6 =	vunpack.c.0.s8.s32 v6  }
0x216: {  	vm7 =	veq.s32 v17, s4;
	v9 =	vsel vm9, v11, v9;
	[tilespmem:$0xF00] =	vst v39;
	v11 =	vunpack.c.0.s8.s32 v48  }
0x217: {  	v1 =	vsel vm1, s4, v38;
	v5 =	vsel vm15, $0xBF800000, v5;
	[tilespmem:$0xF10] =	vst v40;
	v6 =	vand.u32 $0xF, v6  }
0x218: {  	[tilespmem:$0xF20] =	vst v41;
	v52 =	vsel vm11, $0x1D, v9;
	v53 =	vnsel vm8, $0x1, v11;
	v6 =	vnsel vm10, $0x0, v6  }
0x219: {  	v7 =	vsel vm6, $0xBF800000, v7;
	[tilespmem:$0xF30] =	vst v5;
	v3 =	vsel vm9, v51, v53;
	v2 =	vsel vm12, v2, v6  }
0x21a: {  	v54 =	vpop (erf);
	v10 =	vsel vm7, $0xBF800000, v23;
	vm13 =	veq.s32 v47, s4;
	[tilespmem:$0xF40] =	vst v7;
	v3 =	vsel vm11, $0x1C, v3  }
0x21b: {  	v0 =	vmul.f32 v54, v0;
	v56 =	vshra.s32 v1, $0xC;
	v55 =	vsel vm13, $0xBF800000, v25;
	[tilespmem:$0xF50] =	vst v10  }
0x21c: {  	s29 =	simm.s32 $0xE80;
	v57 =	vimm.s32 $0x21201F1E;
	v1 =	vand.u32 $0xFFF, v1;
	v5 =	vcvt.s32.f32 v56;
	[tilespmem:$0xF60] =	vst v55  }
0x21d: {  	v60 =	vimm.s32 $0x25242322;
	v59 =	vunpack.c.0.s8.s32 v57;
	v58 =	vcvt.s32.f32 v1;
	[tilespmem:v52+s29+$0x0] =	vst.idx.msk $0x3ff, v0  }
0x21e: {  	v61 =	vunpack.c.0.s8.s32 v60;
	vm14 =	vcmask $0xF00;
	[tilespmem:v2+s29+$0x0] =	vst.idx.msk $0x3ff, v5  }
0x21f: {  	vm15 =	vcmask $0x1F10;
	v62 =	vnsel vm14, $0x0, v59;
	[tilespmem:v3+s29+$0x0] =	vst.idx.msk $0x3ff, v58  }
0x220: {  	v0 =	vsel vm15, v61, v62;
	v63 =	vld [tilespmem:$0xB00];
	_ =	sdelay $0x4  }
0x221: {  	s30 =	simm.s32 $0x0;
	s31 =	simm.s32 $0x4;
	[tilespmem:v0+s29+$0x0] =	vst.idx.msk $0xff, v63  }
0x222: {  	[hbm4b:s2+s30] =	stream.linear.scatter [tilespmem:s29], [sflag:$0x4], $0x26, $0x38;
	[tilespmem:$0x1030] =	vst v63  }
0x223: {  	_ =	swait.ge [sflag:s31], $0x26  }
0x224: {  	[sflag:s31] =	ssyncset.done $0x0  }
0x225: {  	[sflag:s31] =	ssyncadd.s32 $0xFFFFFFDA  }
.LBB2_15:
0x226: {  	s2 =	simm.s32 $0x3  }
0x227: {  	_ =	swait.ge [sflag:s2], $0x100  }
0x228: {  	[sflag:s2] =	ssyncset.done $0x0  }
0x229: {  	[sflag:s2] =	ssyncadd.s32 $0xFFFFFF00  }
0x22a: {  	_ =	swait.ge [sflag:s2], $0x100  }
0x22b: {  	[sflag:s2] =	ssyncset.done $0x0  }
0x22c: {  	[sflag:s2] =	ssyncadd.s32 $0xFFFFFF00  }
.LBB2_16:
0x22d: {  	_ =	sfence.sel $0x180000  }
0x22e: {  	[bflag:$0x0] =	sbarrier.arrive $0xFFFF  }
0x22f: {  	p0 =	sne.s32 s1, $0x0;
	_ =	strace $0x90000047  }
0x230: {  	s0 =	sadd.s32 @!p0 $0x100000, s0;
	[bflag:$0x2] =	sbarrier.arrive $0xFFFF  }
0x231: {  	[sflag:s0] =	ssyncadd.tile.s32 @!p0 $0x1;
	_ =	shalt  }
.Lfunc_end2:
_tile_overlayer_lowered:
.L_overlay_start_2:
0x232: {  	(tag) =	ssettag $0x2  }
0x233: {  	s0 =	rddreg [dreg:$0x0];
	s2 =	stileid.u32  }
0x234: {  	s1 =	rddreg [dreg:$0x1];
	p0 =	sne.s32 s2, $0x0  }
0x235: {  	s3 =	rddreg [dreg:$0x2];
	[bflag:$0x3] =	sbarrier.arrive $0xFFFF;
	s2 =	simm.s32 @!p0 $0x1C04  }
0x236: {  	[timem:s3], [sflag:s2] =	dma.local @!p0 [hbm:s0], s1  }
0x237: {  	s0 =	simm.s32 @!p0 $0x4  }
0x238: {  	_ =	swait.ge @!p0 [sflag:s0], s1  }
0x239: {  	s1 =	ssub.s32 @!p0 $0x0, s1;
	[sflag:s0] =	ssyncset.done @!p0 $0x0  }
0x23a: {  	[sflag:s0] =	ssyncadd.s32 @!p0 s1  }
0x23b: {  	[bflag:$0x3] =	sbarrier.arrive $0xFFFF  }
0x23c: {  	_ =	shalt  }

</sc_bundles>
